<compile_context>
chip_gen: v7x
topology: tpu7x:2x2x1
jax: 0.10.2.dev20260603
libtpu: 0.0.44.dev20260713+nightly
codegen_flags: <defaults>
</compile_context>

<pallas_src>
import jax
import jax.numpy as jnp
from jax import lax
from jax.experimental import pallas as pl
from jax.experimental.pallas import tpu as pltpu
from jax.experimental.pallas import tpu_sc as plsc

B = 4096
L = 50
V = 1000000
D = 64
NC = 2
NS = 16
NW = NC * NS

ROWS_TOTAL = 2 * B
ROWS_PER_W = ROWS_TOTAL // NW
SEGS_PER_CHUNK = 2
CHUNK = SEGS_PER_CHUNK * L
NCHUNK = ROWS_PER_W // SEGS_PER_CHUNK
NBUF = 2


def _worker_id():
    return lax.axis_index("s") * NC + lax.axis_index("c")


def _sc_pool_body(idx_hbm, table_hbm, out_hbm, idx_v, rows_v, stage_v, sems):
    wid = _worker_id()

    pltpu.sync_copy(idx_hbm.at[wid], idx_v)

    def start_gather(ch, buf):
        return pltpu.async_copy(
            table_hbm.at[idx_v.at[ch]], rows_v.at[buf], sems.at[buf]
        )

    for b in range(NBUF):
        start_gather(b, b)

    def chunk_body(ch, carry):
        buf = lax.rem(ch, NBUF)
        pltpu.make_async_copy(
            table_hbm.at[idx_v.at[ch]], rows_v.at[buf], sems.at[buf]
        ).wait()

        for seg in range(SEGS_PER_CHUNK):
            def row_body(r, accs):
                base = seg * L + r
                return tuple(
                    accs[k] + rows_v[buf, base, pl.ds(k * 16, 16)]
                    for k in range(D // 16)
                )

            zeros = tuple(
                jnp.zeros((16,), jnp.float32) for _ in range(D // 16)
            )
            accs = lax.fori_loop(0, L, row_body, zeros, unroll=5)
            for k in range(D // 16):
                stage_v[SEGS_PER_CHUNK * ch + seg, pl.ds(k * 16, 16)] = (
                    accs[k] * (1.0 / L)
                )

        @pl.when(ch + NBUF < NCHUNK)
        def _():
            start_gather(ch + NBUF, buf)

        return carry

    lax.fori_loop(0, NCHUNK, chunk_body, 0)

    pltpu.sync_copy(stage_v, out_hbm.at[pl.ds(wid * ROWS_PER_W, ROWS_PER_W)])


@jax.jit
def _sc_gather_mean(idx, table):
    mesh = plsc.VectorSubcoreMesh(core_axis_name="c", subcore_axis_name="s")
    return pl.kernel(
        _sc_pool_body,
        out_type=jax.ShapeDtypeStruct((ROWS_TOTAL, D), jnp.float32),
        mesh=mesh,
        scratch_types=[
            pltpu.VMEM((NCHUNK, CHUNK), jnp.int32),
            pltpu.VMEM((NBUF, CHUNK, D), jnp.float32),
            pltpu.VMEM((ROWS_PER_W, D), jnp.float32),
            pltpu.SemaphoreType.DMA((NBUF,)),
        ],
        compiler_params=pltpu.CompilerParams(use_tc_tiling_on_sc=False),
    )(idx, table)


def _tc_mlp_body(u_ref, v_ref, w1t_ref, b1_ref, w2t_ref, b2_ref, out_ref):
    u = u_ref[...]
    v = v_ref[...]
    combined = jnp.concatenate([u, v, jnp.abs(u - v), u * v], axis=1)
    h = jnp.dot(combined, w1t_ref[...], preferred_element_type=jnp.float32)
    h = jnp.maximum(h + b1_ref[...], 0.0)
    logits = jnp.dot(h, w2t_ref[...], preferred_element_type=jnp.float32)
    logits = logits + b2_ref[...]
    m = jnp.max(logits, axis=1, keepdims=True)
    e = jnp.exp(logits - m)
    out_ref[...] = e / jnp.sum(e, axis=1, keepdims=True)


@jax.jit
def _tc_mlp(u, v, w1t, b1, w2t, b2):
    return pl.pallas_call(
        _tc_mlp_body,
        out_shape=jax.ShapeDtypeStruct((B, w2t.shape[1]), jnp.float32),
    )(u, v, w1t, b1, w2t, b2)


@jax.jit
def kernel(sentence1, sentence2, table, W1, b1, W2, b2):
    idx = jnp.concatenate(
        [sentence1.reshape(-1), sentence2.reshape(-1)]
    ).reshape(NW, NCHUNK, CHUNK)
    uv = _sc_gather_mean(idx, table)
    u = uv[:B]
    v = uv[B:]
    nl = W2.shape[0]
    out = _tc_mlp(
        u, v, W1.T, b1.reshape(1, -1), W2.T, b2.reshape(1, -1)
    )
    return out[:, :nl]

# --- scband reference (transcript-rebuilt; emitter-appended) ---
"""Pipeline reference for scband-bow-2705829396599 (READ-ONLY COPY).

The authoritative reference and input builder live on the scoring server;
editing this copy changes nothing except your own understanding.
"""

import jax, jax.numpy as jnp
import numpy as np

B = 4096
L = 50
VOCAB = 1000000
D = 64
H = 256
NL = 3


def setup_inputs(seed: int = 0) -> dict:
    key = jax.random.key(seed)
    k1, k2, k3, k4, k5, k6, k7 = jax.random.split(key, 7)
    sentence1 = jax.random.randint(k1, (B, L), 0, VOCAB, dtype=jnp.int32)
    sentence2 = jax.random.randint(k2, (B, L), 0, VOCAB, dtype=jnp.int32)
    table = jax.random.normal(k3, (VOCAB, D), dtype=jnp.float32) * 0.02
    W1 = jax.random.normal(k4, (H, 4 * D), dtype=jnp.float32) * (1.0 / np.sqrt(4 * D))
    b1 = jax.random.normal(k5, (H,), dtype=jnp.float32) * 0.01
    W2 = jax.random.normal(k6, (NL, H), dtype=jnp.float32) * (1.0 / np.sqrt(H))
    b2 = jax.random.normal(k7, (NL,), dtype=jnp.float32) * 0.01
    return {"sentence1": sentence1, "sentence2": sentence2, "table": table,
            "W1": W1, "b1": b1, "W2": W2, "b2": b2}


def reference(sentence1, sentence2, table, W1, b1, W2, b2):
    embeds1 = jnp.take(table, sentence1, axis=0)   # [B, L, D] gather
    embeds2 = jnp.take(table, sentence2, axis=0)   # [B, L, D] gather
    u = embeds1.mean(axis=1)                       # [B, D]
    v = embeds2.mean(axis=1)                       # [B, D]
    diff = jnp.abs(u - v)
    dotprod = u * v
    combined = jnp.concatenate([u, v, diff, dotprod], axis=1)  # [B, 4D]
    intermediate = jax.nn.relu(combined @ W1.T + b1)           # [B, H]
    output = jax.nn.softmax(intermediate @ W2.T + b2, axis=1)  # [B, NL]
    return output

if __name__ == "__main__":
    import jax
    _d = setup_inputs()
    print(jax.jit(kernel)(*tuple(_d.values())))

</pallas_src>

<mosaic_0001>
#map = affine_map<(d0, d1) -> (0, 0, 0)>
#map1 = affine_map<(d0, d1) -> (0, 0)>
module attributes {stable_mosaic.version = 14 : i64} {
  func.func @_sc_pool_body(%arg0: i32, %arg1: i32, %arg2: memref<32x128x100xi32, #tpu.memory_space<hbm>>, %arg3: memref<1000000x64xf32, #tpu.memory_space<hbm>>, %arg4: memref<8192x64xf32, #tpu.memory_space<hbm>>, %arg5: memref<128x100xi32, #tpu.memory_space<vmem>>, %arg6: memref<2x100x64xf32, #tpu.memory_space<vmem>>, %arg7: memref<256x64xf32, #tpu.memory_space<vmem>>, %arg8: memref<2x!tpu.dma_semaphore, #tpu.memory_space<semaphore_mem>>) attributes {dimension_semantics = [#tpu.dimension_semantics<core_parallel>, #tpu.dimension_semantics<subcore_parallel>], iteration_bounds = array<i64: 2, 16>, scalar_prefetch = 0 : i64, scratch_operands = 4 : i64, tpu.core_type = #tpu.core_type<sc_vector_subcore>, window_params = [{transform_indices = #map}, {transform_indices = #map1}, {transform_indices = #map1}]} {
    %mul3A = arith.constant 2 : i32
    %mul3A_0 = arith.muli %arg1, %mul3A : i32
    %add3A = arith.addi %mul3A_0, %arg0 : i32
    "tpu.region"() ({
      %run_scoped3A = tpu.sem_alloc : memref<!tpu.dma_semaphore, #tpu.memory_space<semaphore_mem>>
      %dma_start3A_37 = arith.constant 0 : i32
      %dma_start3A_38 = arith.constant 0 : i32
      %dma_start3A_39 = tpu.memref_slice %arg2[%add3A, %dma_start3A_37, %dma_start3A_38] : memref<32x128x100xi32, #tpu.memory_space<hbm>> -> memref<1x128x100xi32, #tpu.memory_space<hbm>>
      %dma_start3A_40 = tpu.memref_squeeze %dma_start3A_39 : memref<1x128x100xi32, #tpu.memory_space<hbm>> -> memref<128x100xi32, #tpu.memory_space<hbm>>
      %dma_start3A_41 = arith.constant 0 : i32
      %dma_start3A_42 = arith.constant 0 : i32
      %dma_start3A_43 = tpu.memref_slice %arg2[%add3A, %dma_start3A_41, %dma_start3A_42] : memref<32x128x100xi32, #tpu.memory_space<hbm>> -> memref<1x128x100xi32, #tpu.memory_space<hbm>>
      %dma_start3A_44 = tpu.memref_squeeze %dma_start3A_43 : memref<1x128x100xi32, #tpu.memory_space<hbm>> -> memref<128x100xi32, #tpu.memory_space<hbm>>
      tpu.enqueue_dma source(%dma_start3A_44 : memref<128x100xi32, #tpu.memory_space<hbm>>) target(%arg5 : memref<128x100xi32, #tpu.memory_space<vmem>>) target_semaphore(%run_scoped3A : memref<!tpu.dma_semaphore, #tpu.memory_space<semaphore_mem>>)
      %dma_wait3A = arith.constant 0 : i32
      %dma_wait3A_45 = arith.constant 0 : i32
      %dma_wait3A_46 = tpu.memref_slice %arg2[%add3A, %dma_wait3A, %dma_wait3A_45] : memref<32x128x100xi32, #tpu.memory_space<hbm>> -> memref<1x128x100xi32, #tpu.memory_space<hbm>>
      %dma_wait3A_47 = tpu.memref_squeeze %dma_wait3A_46 : memref<1x128x100xi32, #tpu.memory_space<hbm>> -> memref<128x100xi32, #tpu.memory_space<hbm>>
      %dma_wait3A_48 = arith.constant 0 : i32
      %dma_wait3A_49 = arith.constant 0 : i32
      %dma_wait3A_50 = tpu.memref_slice %arg2[%add3A, %dma_wait3A_48, %dma_wait3A_49] : memref<32x128x100xi32, #tpu.memory_space<hbm>> -> memref<1x128x100xi32, #tpu.memory_space<hbm>>
      %dma_wait3A_51 = tpu.memref_squeeze %dma_wait3A_50 : memref<1x128x100xi32, #tpu.memory_space<hbm>> -> memref<128x100xi32, #tpu.memory_space<hbm>>
      tpu.wait_dma2 semaphore(%run_scoped3A : memref<!tpu.dma_semaphore, #tpu.memory_space<semaphore_mem>>) src(%dma_wait3A_51 : memref<128x100xi32, #tpu.memory_space<hbm>>) dst(%arg5 : memref<128x100xi32, #tpu.memory_space<vmem>>)
      tpu.yield
    }) : () -> ()
    %dma_start3A = arith.constant 0 : i32
    %dma_start3A_1 = arith.constant 0 : i32
    %dma_start3A_2 = arith.constant 0 : i32
    %dma_start3A_3 = arith.constant 0 : i32
    %dma_start3A_4 = arith.constant 0 : i32
    %dma_start3A_5 = tpu.memref_slice %arg6[%dma_start3A_1, %dma_start3A_3, %dma_start3A_4] : memref<2x100x64xf32, #tpu.memory_space<vmem>> -> memref<1x100x64xf32, #tpu.memory_space<vmem>>
    %dma_start3A_6 = tpu.memref_squeeze %dma_start3A_5 : memref<1x100x64xf32, #tpu.memory_space<vmem>> -> memref<100x64xf32, #tpu.memory_space<vmem>>
    %dma_start3A_7 = arith.constant 0 : i32
    %dma_start3A_8 = tpu.memref_slice %arg5[%dma_start3A, %dma_start3A_7] : memref<128x100xi32, #tpu.memory_space<vmem>> -> memref<1x100xi32, #tpu.memory_space<vmem>>
    %dma_start3A_9 = tpu.memref_squeeze %dma_start3A_8 : memref<1x100xi32, #tpu.memory_space<vmem>> -> memref<100xi32, #tpu.memory_space<vmem>>
    %dma_start3A_10 = arith.constant 0 : i32
    %dma_start3A_11 = arith.constant 0 : i32
    %dma_start3A_12 = tpu.memref_slice %arg3[%dma_start3A_10, %dma_start3A_11] : memref<1000000x64xf32, #tpu.memory_space<hbm>> -> memref<1000000x64xf32, #tpu.memory_space<hbm>>
    %dma_start3A_13 = tpu.memref_slice %arg8[%dma_start3A_2] : memref<2x!tpu.dma_semaphore, #tpu.memory_space<semaphore_mem>> -> memref<1x!tpu.dma_semaphore, #tpu.memory_space<semaphore_mem>>
    %dma_start3A_14 = tpu.memref_squeeze %dma_start3A_13 : memref<1x!tpu.dma_semaphore, #tpu.memory_space<semaphore_mem>> -> memref<!tpu.dma_semaphore, #tpu.memory_space<semaphore_mem>>
    tpu.enqueue_indirect_dma source(%dma_start3A_12 : memref<1000000x64xf32, #tpu.memory_space<hbm>>) target(%dma_start3A_6 : memref<100x64xf32, #tpu.memory_space<vmem>>) offsets(%dma_start3A_9 : memref<100xi32, #tpu.memory_space<vmem>>) semaphore(%dma_start3A_14 : memref<!tpu.dma_semaphore, #tpu.memory_space<semaphore_mem>>)
    %dma_start3A_15 = arith.constant 1 : i32
    %dma_start3A_16 = arith.constant 1 : i32
    %dma_start3A_17 = arith.constant 1 : i32
    %dma_start3A_18 = arith.constant 0 : i32
    %dma_start3A_19 = arith.constant 0 : i32
    %dma_start3A_20 = tpu.memref_slice %arg6[%dma_start3A_16, %dma_start3A_18, %dma_start3A_19] : memref<2x100x64xf32, #tpu.memory_space<vmem>> -> memref<1x100x64xf32, #tpu.memory_space<vmem>>
    %dma_start3A_21 = tpu.memref_squeeze %dma_start3A_20 : memref<1x100x64xf32, #tpu.memory_space<vmem>> -> memref<100x64xf32, #tpu.memory_space<vmem>>
    %dma_start3A_22 = arith.constant 0 : i32
    %dma_start3A_23 = tpu.memref_slice %arg5[%dma_start3A_15, %dma_start3A_22] : memref<128x100xi32, #tpu.memory_space<vmem>> -> memref<1x100xi32, #tpu.memory_space<vmem>>
    %dma_start3A_24 = tpu.memref_squeeze %dma_start3A_23 : memref<1x100xi32, #tpu.memory_space<vmem>> -> memref<100xi32, #tpu.memory_space<vmem>>
    %dma_start3A_25 = arith.constant 0 : i32
    %dma_start3A_26 = arith.constant 0 : i32
    %dma_start3A_27 = tpu.memref_slice %arg3[%dma_start3A_25, %dma_start3A_26] : memref<1000000x64xf32, #tpu.memory_space<hbm>> -> memref<1000000x64xf32, #tpu.memory_space<hbm>>
    %dma_start3A_28 = tpu.memref_slice %arg8[%dma_start3A_17] : memref<2x!tpu.dma_semaphore, #tpu.memory_space<semaphore_mem>> -> memref<1x!tpu.dma_semaphore, #tpu.memory_space<semaphore_mem>>
    %dma_start3A_29 = tpu.memref_squeeze %dma_start3A_28 : memref<1x!tpu.dma_semaphore, #tpu.memory_space<semaphore_mem>> -> memref<!tpu.dma_semaphore, #tpu.memory_space<semaphore_mem>>
    tpu.enqueue_indirect_dma source(%dma_start3A_27 : memref<1000000x64xf32, #tpu.memory_space<hbm>>) target(%dma_start3A_21 : memref<100x64xf32, #tpu.memory_space<vmem>>) offsets(%dma_start3A_24 : memref<100xi32, #tpu.memory_space<vmem>>) semaphore(%dma_start3A_29 : memref<!tpu.dma_semaphore, #tpu.memory_space<semaphore_mem>>)
    %scan3A = arith.constant 0 : i32
    %scan3A_30 = arith.constant 0 : i32
    %scan3A_31 = arith.constant 128 : i32
    %scan3A_32 = arith.addi %scan3A_30, %scan3A_31 : i32
    %scan3A_33 = arith.constant 1 : i32
    scf.for %scan3A_37 = %scan3A_30 to %scan3A_32 step %scan3A_33  : i32 {
      %rem3A = arith.constant 2 : i32
      %rem3A_38 = arith.remsi %scan3A_37, %rem3A : i32
      %dma_wait3A = arith.constant 0 : i32
      %dma_wait3A_39 = arith.constant 0 : i32
      %dma_wait3A_40 = tpu.memref_slice %arg6[%rem3A_38, %dma_wait3A, %dma_wait3A_39] : memref<2x100x64xf32, #tpu.memory_space<vmem>> -> memref<1x100x64xf32, #tpu.memory_space<vmem>>
      %dma_wait3A_41 = tpu.memref_squeeze %dma_wait3A_40 : memref<1x100x64xf32, #tpu.memory_space<vmem>> -> memref<100x64xf32, #tpu.memory_space<vmem>>
      %dma_wait3A_42 = arith.constant 0 : i32
      %dma_wait3A_43 = tpu.memref_slice %arg5[%scan3A_37, %dma_wait3A_42] : memref<128x100xi32, #tpu.memory_space<vmem>> -> memref<1x100xi32, #tpu.memory_space<vmem>>
      %dma_wait3A_44 = tpu.memref_squeeze %dma_wait3A_43 : memref<1x100xi32, #tpu.memory_space<vmem>> -> memref<100xi32, #tpu.memory_space<vmem>>
      %dma_wait3A_45 = arith.constant 0 : i32
      %dma_wait3A_46 = arith.constant 0 : i32
      %dma_wait3A_47 = tpu.memref_slice %arg3[%dma_wait3A_45, %dma_wait3A_46] : memref<1000000x64xf32, #tpu.memory_space<hbm>> -> memref<1000000x64xf32, #tpu.memory_space<hbm>>
      %dma_wait3A_48 = tpu.memref_slice %arg8[%rem3A_38] : memref<2x!tpu.dma_semaphore, #tpu.memory_space<semaphore_mem>> -> memref<1x!tpu.dma_semaphore, #tpu.memory_space<semaphore_mem>>
      %dma_wait3A_49 = tpu.memref_squeeze %dma_wait3A_48 : memref<1x!tpu.dma_semaphore, #tpu.memory_space<semaphore_mem>> -> memref<!tpu.dma_semaphore, #tpu.memory_space<semaphore_mem>>
      tpu.wait_indirect_dma semaphore(%dma_wait3A_49 : memref<!tpu.dma_semaphore, #tpu.memory_space<semaphore_mem>>) src(%dma_wait3A_47 : memref<1000000x64xf32, #tpu.memory_space<hbm>>) dst(%dma_wait3A_41 : memref<100x64xf32, #tpu.memory_space<vmem>>)
      %broadcast_in_dim3A = arith.constant 0.000000e+00 : f32
      %broadcast_in_dim3A_50 = vector.broadcast %broadcast_in_dim3A : f32 to vector<16xf32>
      %broadcast_in_dim3A_51 = arith.constant 0.000000e+00 : f32
      %broadcast_in_dim3A_52 = vector.broadcast %broadcast_in_dim3A_51 : f32 to vector<16xf32>
      %broadcast_in_dim3A_53 = arith.constant 0.000000e+00 : f32
      %broadcast_in_dim3A_54 = vector.broadcast %broadcast_in_dim3A_53 : f32 to vector<16xf32>
      %broadcast_in_dim3A_55 = arith.constant 0.000000e+00 : f32
      %broadcast_in_dim3A_56 = vector.broadcast %broadcast_in_dim3A_55 : f32 to vector<16xf32>
      %scan3A_57 = arith.constant 0 : i32
      %scan3A_58 = arith.constant 50 : i32
      %scan3A_59 = arith.addi %scan3A_57, %scan3A_58 : i32
      %scan3A_60 = arith.constant 5 : i32
      %scan3A_61:4 = scf.for %scan3A_176 = %scan3A_57 to %scan3A_59 step %scan3A_60 iter_args(%scan3A_177 = %broadcast_in_dim3A_50, %scan3A_178 = %broadcast_in_dim3A_52, %scan3A_179 = %broadcast_in_dim3A_54, %scan3A_180 = %broadcast_in_dim3A_56) -> (vector<16xf32>, vector<16xf32>, vector<16xf32>, vector<16xf32>)  : i32 {
        %add3A_181 = arith.constant 0 : i32
        %add3A_182 = arith.addi %add3A_181, %scan3A_176 : i32
        %get3A = arith.index_cast %rem3A_38 : i32 to index
        %get3A_183 = arith.index_cast %add3A_182 : i32 to index
        %get3A_184 = arith.constant 0 : index
        %get3A_185 = tpu.vector_load %arg6[%get3A, %get3A_183, %get3A_184] {strides = array<i32>} : memref<2x100x64xf32, #tpu.memory_space<vmem>>, vector<1x1x16xf32>,
        %get3A_186 = vector.shape_cast %get3A_185 : vector<1x1x16xf32> to vector<16xf32>
        %add3A_187 = arith.addf %scan3A_177, %get3A_186 : vector<16xf32>
        %get3A_188 = arith.index_cast %rem3A_38 : i32 to index
        %get3A_189 = arith.index_cast %add3A_182 : i32 to index
        %get3A_190 = arith.constant 16 : index
        %get3A_191 = tpu.vector_load %arg6[%get3A_188, %get3A_189, %get3A_190] {strides = array<i32>} : memref<2x100x64xf32, #tpu.memory_space<vmem>>, vector<1x1x16xf32>,
        %get3A_192 = vector.shape_cast %get3A_191 : vector<1x1x16xf32> to vector<16xf32>
        %add3A_193 = arith.addf %scan3A_178, %get3A_192 : vector<16xf32>
        %get3A_194 = arith.index_cast %rem3A_38 : i32 to index
        %get3A_195 = arith.index_cast %add3A_182 : i32 to index
        %get3A_196 = arith.constant 32 : index
        %get3A_197 = tpu.vector_load %arg6[%get3A_194, %get3A_195, %get3A_196] {strides = array<i32>} : memref<2x100x64xf32, #tpu.memory_space<vmem>>, vector<1x1x16xf32>,
        %get3A_198 = vector.shape_cast %get3A_197 : vector<1x1x16xf32> to vector<16xf32>
        %add3A_199 = arith.addf %scan3A_179, %get3A_198 : vector<16xf32>
        %get3A_200 = arith.index_cast %rem3A_38 : i32 to index
        %get3A_201 = arith.index_cast %add3A_182 : i32 to index
        %get3A_202 = arith.constant 48 : index
        %get3A_203 = tpu.vector_load %arg6[%get3A_200, %get3A_201, %get3A_202] {strides = array<i32>} : memref<2x100x64xf32, #tpu.memory_space<vmem>>, vector<1x1x16xf32>,
        %get3A_204 = vector.shape_cast %get3A_203 : vector<1x1x16xf32> to vector<16xf32>
        %add3A_205 = arith.addf %scan3A_180, %get3A_204 : vector<16xf32>
        %scan3A_206 = arith.constant 1 : i32
        %scan3A_207 = arith.addi %scan3A_176, %scan3A_206 : i32
        %add3A_208 = arith.constant 0 : i32
        %add3A_209 = arith.addi %add3A_208, %scan3A_207 : i32
        %get3A_210 = arith.index_cast %rem3A_38 : i32 to index
        %get3A_211 = arith.index_cast %add3A_209 : i32 to index
        %get3A_212 = arith.constant 0 : index
        %get3A_213 = tpu.vector_load %arg6[%get3A_210, %get3A_211, %get3A_212] {strides = array<i32>} : memref<2x100x64xf32, #tpu.memory_space<vmem>>, vector<1x1x16xf32>,
        %get3A_214 = vector.shape_cast %get3A_213 : vector<1x1x16xf32> to vector<16xf32>
        %add3A_215 = arith.addf %add3A_187, %get3A_214 : vector<16xf32>
        %get3A_216 = arith.index_cast %rem3A_38 : i32 to index
        %get3A_217 = arith.index_cast %add3A_209 : i32 to index
        %get3A_218 = arith.constant 16 : index
        %get3A_219 = tpu.vector_load %arg6[%get3A_216, %get3A_217, %get3A_218] {strides = array<i32>} : memref<2x100x64xf32, #tpu.memory_space<vmem>>, vector<1x1x16xf32>,
        %get3A_220 = vector.shape_cast %get3A_219 : vector<1x1x16xf32> to vector<16xf32>
        %add3A_221 = arith.addf %add3A_193, %get3A_220 : vector<16xf32>
        %get3A_222 = arith.index_cast %rem3A_38 : i32 to index
        %get3A_223 = arith.index_cast %add3A_209 : i32 to index
        %get3A_224 = arith.constant 32 : index
        %get3A_225 = tpu.vector_load %arg6[%get3A_222, %get3A_223, %get3A_224] {strides = array<i32>} : memref<2x100x64xf32, #tpu.memory_space<vmem>>, vector<1x1x16xf32>,
        %get3A_226 = vector.shape_cast %get3A_225 : vector<1x1x16xf32> to vector<16xf32>
        %add3A_227 = arith.addf %add3A_199, %get3A_226 : vector<16xf32>
        %get3A_228 = arith.index_cast %rem3A_38 : i32 to index
        %get3A_229 = arith.index_cast %add3A_209 : i32 to index
        %get3A_230 = arith.constant 48 : index
        %get3A_231 = tpu.vector_load %arg6[%get3A_228, %get3A_229, %get3A_230] {strides = array<i32>} : memref<2x100x64xf32, #tpu.memory_space<vmem>>, vector<1x1x16xf32>,
        %get3A_232 = vector.shape_cast %get3A_231 : vector<1x1x16xf32> to vector<16xf32>
        %add3A_233 = arith.addf %add3A_205, %get3A_232 : vector<16xf32>
        %scan3A_234 = arith.constant 2 : i32
        %scan3A_235 = arith.addi %scan3A_176, %scan3A_234 : i32
        %add3A_236 = arith.constant 0 : i32
        %add3A_237 = arith.addi %add3A_236, %scan3A_235 : i32
        %get3A_238 = arith.index_cast %rem3A_38 : i32 to index
        %get3A_239 = arith.index_cast %add3A_237 : i32 to index
        %get3A_240 = arith.constant 0 : index
        %get3A_241 = tpu.vector_load %arg6[%get3A_238, %get3A_239, %get3A_240] {strides = array<i32>} : memref<2x100x64xf32, #tpu.memory_space<vmem>>, vector<1x1x16xf32>,
        %get3A_242 = vector.shape_cast %get3A_241 : vector<1x1x16xf32> to vector<16xf32>
        %add3A_243 = arith.addf %add3A_215, %get3A_242 : vector<16xf32>
        %get3A_244 = arith.index_cast %rem3A_38 : i32 to index
        %get3A_245 = arith.index_cast %add3A_237 : i32 to index
        %get3A_246 = arith.constant 16 : index
        %get3A_247 = tpu.vector_load %arg6[%get3A_244, %get3A_245, %get3A_246] {strides = array<i32>} : memref<2x100x64xf32, #tpu.memory_space<vmem>>, vector<1x1x16xf32>,
        %get3A_248 = vector.shape_cast %get3A_247 : vector<1x1x16xf32> to vector<16xf32>
        %add3A_249 = arith.addf %add3A_221, %get3A_248 : vector<16xf32>
        %get3A_250 = arith.index_cast %rem3A_38 : i32 to index
        %get3A_251 = arith.index_cast %add3A_237 : i32 to index
        %get3A_252 = arith.constant 32 : index
        %get3A_253 = tpu.vector_load %arg6[%get3A_250, %get3A_251, %get3A_252] {strides = array<i32>} : memref<2x100x64xf32, #tpu.memory_space<vmem>>, vector<1x1x16xf32>,
        %get3A_254 = vector.shape_cast %get3A_253 : vector<1x1x16xf32> to vector<16xf32>
        %add3A_255 = arith.addf %add3A_227, %get3A_254 : vector<16xf32>
        %get3A_256 = arith.index_cast %rem3A_38 : i32 to index
        %get3A_257 = arith.index_cast %add3A_237 : i32 to index
        %get3A_258 = arith.constant 48 : index
        %get3A_259 = tpu.vector_load %arg6[%get3A_256, %get3A_257, %get3A_258] {strides = array<i32>} : memref<2x100x64xf32, #tpu.memory_space<vmem>>, vector<1x1x16xf32>,
        %get3A_260 = vector.shape_cast %get3A_259 : vector<1x1x16xf32> to vector<16xf32>
        %add3A_261 = arith.addf %add3A_233, %get3A_260 : vector<16xf32>
        %scan3A_262 = arith.constant 3 : i32
        %scan3A_263 = arith.addi %scan3A_176, %scan3A_262 : i32
        %add3A_264 = arith.constant 0 : i32
        %add3A_265 = arith.addi %add3A_264, %scan3A_263 : i32
        %get3A_266 = arith.index_cast %rem3A_38 : i32 to index
        %get3A_267 = arith.index_cast %add3A_265 : i32 to index
        %get3A_268 = arith.constant 0 : index
        %get3A_269 = tpu.vector_load %arg6[%get3A_266, %get3A_267, %get3A_268] {strides = array<i32>} : memref<2x100x64xf32, #tpu.memory_space<vmem>>, vector<1x1x16xf32>,
        %get3A_270 = vector.shape_cast %get3A_269 : vector<1x1x16xf32> to vector<16xf32>
        %add3A_271 = arith.addf %add3A_243, %get3A_270 : vector<16xf32>
        %get3A_272 = arith.index_cast %rem3A_38 : i32 to index
        %get3A_273 = arith.index_cast %add3A_265 : i32 to index
        %get3A_274 = arith.constant 16 : index
        %get3A_275 = tpu.vector_load %arg6[%get3A_272, %get3A_273, %get3A_274] {strides = array<i32>} : memref<2x100x64xf32, #tpu.memory_space<vmem>>, vector<1x1x16xf32>,
        %get3A_276 = vector.shape_cast %get3A_275 : vector<1x1x16xf32> to vector<16xf32>
        %add3A_277 = arith.addf %add3A_249, %get3A_276 : vector<16xf32>
        %get3A_278 = arith.index_cast %rem3A_38 : i32 to index
        %get3A_279 = arith.index_cast %add3A_265 : i32 to index
        %get3A_280 = arith.constant 32 : index
        %get3A_281 = tpu.vector_load %arg6[%get3A_278, %get3A_279, %get3A_280] {strides = array<i32>} : memref<2x100x64xf32, #tpu.memory_space<vmem>>, vector<1x1x16xf32>,
        %get3A_282 = vector.shape_cast %get3A_281 : vector<1x1x16xf32> to vector<16xf32>
        %add3A_283 = arith.addf %add3A_255, %get3A_282 : vector<16xf32>
        %get3A_284 = arith.index_cast %rem3A_38 : i32 to index
        %get3A_285 = arith.index_cast %add3A_265 : i32 to index
        %get3A_286 = arith.constant 48 : index
        %get3A_287 = tpu.vector_load %arg6[%get3A_284, %get3A_285, %get3A_286] {strides = array<i32>} : memref<2x100x64xf32, #tpu.memory_space<vmem>>, vector<1x1x16xf32>,
        %get3A_288 = vector.shape_cast %get3A_287 : vector<1x1x16xf32> to vector<16xf32>
        %add3A_289 = arith.addf %add3A_261, %get3A_288 : vector<16xf32>
        %scan3A_290 = arith.constant 4 : i32
        %scan3A_291 = arith.addi %scan3A_176, %scan3A_290 : i32
        %add3A_292 = arith.constant 0 : i32
        %add3A_293 = arith.addi %add3A_292, %scan3A_291 : i32
        %get3A_294 = arith.index_cast %rem3A_38 : i32 to index
        %get3A_295 = arith.index_cast %add3A_293 : i32 to index
        %get3A_296 = arith.constant 0 : index
        %get3A_297 = tpu.vector_load %arg6[%get3A_294, %get3A_295, %get3A_296] {strides = array<i32>} : memref<2x100x64xf32, #tpu.memory_space<vmem>>, vector<1x1x16xf32>,
        %get3A_298 = vector.shape_cast %get3A_297 : vector<1x1x16xf32> to vector<16xf32>
        %add3A_299 = arith.addf %add3A_271, %get3A_298 : vector<16xf32>
        %get3A_300 = arith.index_cast %rem3A_38 : i32 to index
        %get3A_301 = arith.index_cast %add3A_293 : i32 to index
        %get3A_302 = arith.constant 16 : index
        %get3A_303 = tpu.vector_load %arg6[%get3A_300, %get3A_301, %get3A_302] {strides = array<i32>} : memref<2x100x64xf32, #tpu.memory_space<vmem>>, vector<1x1x16xf32>,
        %get3A_304 = vector.shape_cast %get3A_303 : vector<1x1x16xf32> to vector<16xf32>
        %add3A_305 = arith.addf %add3A_277, %get3A_304 : vector<16xf32>
        %get3A_306 = arith.index_cast %rem3A_38 : i32 to index
        %get3A_307 = arith.index_cast %add3A_293 : i32 to index
        %get3A_308 = arith.constant 32 : index
        %get3A_309 = tpu.vector_load %arg6[%get3A_306, %get3A_307, %get3A_308] {strides = array<i32>} : memref<2x100x64xf32, #tpu.memory_space<vmem>>, vector<1x1x16xf32>,
        %get3A_310 = vector.shape_cast %get3A_309 : vector<1x1x16xf32> to vector<16xf32>
        %add3A_311 = arith.addf %add3A_283, %get3A_310 : vector<16xf32>
        %get3A_312 = arith.index_cast %rem3A_38 : i32 to index
        %get3A_313 = arith.index_cast %add3A_293 : i32 to index
        %get3A_314 = arith.constant 48 : index
        %get3A_315 = tpu.vector_load %arg6[%get3A_312, %get3A_313, %get3A_314] {strides = array<i32>} : memref<2x100x64xf32, #tpu.memory_space<vmem>>, vector<1x1x16xf32>,
        %get3A_316 = vector.shape_cast %get3A_315 : vector<1x1x16xf32> to vector<16xf32>
        %add3A_317 = arith.addf %add3A_289, %get3A_316 : vector<16xf32>
        scf.yield %add3A_299, %add3A_305, %add3A_311, %add3A_317 : vector<16xf32>, vector<16xf32>, vector<16xf32>, vector<16xf32>
      }
      %scan3A_62 = arith.constant 50 : i32
      %mul3A_63 = arith.constant 2.000000e-02 : f32
      %mul3A_64 = vector.broadcast %mul3A_63 : f32 to vector<16xf32>
      %mul3A_65 = arith.mulf %scan3A_61#0, %mul3A_64 : vector<16xf32>
      %mul3A_66 = arith.constant 2 : i32
      %mul3A_67 = arith.muli %mul3A_66, %scan3A_37 : i32
      %add3A_68 = arith.constant 0 : i32
      %add3A_69 = arith.addi %mul3A_67, %add3A_68 : i32
      %swap3A = arith.index_cast %add3A_69 : i32 to index
      %swap3A_70 = arith.constant 0 : index
      %swap3A_71 = tpu.vector_load %arg7[%swap3A, %swap3A_70] {strides = array<i32>} : memref<256x64xf32, #tpu.memory_space<vmem>>, vector<1x16xf32>,
      %swap3A_72 = vector.shape_cast %swap3A_71 : vector<1x16xf32> to vector<16xf32>
      %swap3A_73 = vector.shape_cast %mul3A_65 : vector<16xf32> to vector<1x16xf32>
      tpu.vector_store %arg7[%swap3A, %swap3A_70], %swap3A_73 {strides = array<i32>} : memref<256x64xf32, #tpu.memory_space<vmem>>, vector<1x16xf32>,
      %mul3A_74 = arith.constant 2.000000e-02 : f32
      %mul3A_75 = vector.broadcast %mul3A_74 : f32 to vector<16xf32>
      %mul3A_76 = arith.mulf %scan3A_61#1, %mul3A_75 : vector<16xf32>
      %mul3A_77 = arith.constant 2 : i32
      %mul3A_78 = arith.muli %mul3A_77, %scan3A_37 : i32
      %add3A_79 = arith.constant 0 : i32
      %add3A_80 = arith.addi %mul3A_78, %add3A_79 : i32
      %swap3A_81 = arith.index_cast %add3A_80 : i32 to index
      %swap3A_82 = arith.constant 16 : index
      %swap3A_83 = tpu.vector_load %arg7[%swap3A_81, %swap3A_82] {strides = array<i32>} : memref<256x64xf32, #tpu.memory_space<vmem>>, vector<1x16xf32>,
      %swap3A_84 = vector.shape_cast %swap3A_83 : vector<1x16xf32> to vector<16xf32>
      %swap3A_85 = vector.shape_cast %mul3A_76 : vector<16xf32> to vector<1x16xf32>
      tpu.vector_store %arg7[%swap3A_81, %swap3A_82], %swap3A_85 {strides = array<i32>} : memref<256x64xf32, #tpu.memory_space<vmem>>, vector<1x16xf32>,
      %mul3A_86 = arith.constant 2.000000e-02 : f32
      %mul3A_87 = vector.broadcast %mul3A_86 : f32 to vector<16xf32>
      %mul3A_88 = arith.mulf %scan3A_61#2, %mul3A_87 : vector<16xf32>
      %mul3A_89 = arith.constant 2 : i32
      %mul3A_90 = arith.muli %mul3A_89, %scan3A_37 : i32
      %add3A_91 = arith.constant 0 : i32
      %add3A_92 = arith.addi %mul3A_90, %add3A_91 : i32
      %swap3A_93 = arith.index_cast %add3A_92 : i32 to index
      %swap3A_94 = arith.constant 32 : index
      %swap3A_95 = tpu.vector_load %arg7[%swap3A_93, %swap3A_94] {strides = array<i32>} : memref<256x64xf32, #tpu.memory_space<vmem>>, vector<1x16xf32>,
      %swap3A_96 = vector.shape_cast %swap3A_95 : vector<1x16xf32> to vector<16xf32>
      %swap3A_97 = vector.shape_cast %mul3A_88 : vector<16xf32> to vector<1x16xf32>
      tpu.vector_store %arg7[%swap3A_93, %swap3A_94], %swap3A_97 {strides = array<i32>} : memref<256x64xf32, #tpu.memory_space<vmem>>, vector<1x16xf32>,
      %mul3A_98 = arith.constant 2.000000e-02 : f32
      %mul3A_99 = vector.broadcast %mul3A_98 : f32 to vector<16xf32>
      %mul3A_100 = arith.mulf %scan3A_61#3, %mul3A_99 : vector<16xf32>
      %mul3A_101 = arith.constant 2 : i32
      %mul3A_102 = arith.muli %mul3A_101, %scan3A_37 : i32
      %add3A_103 = arith.constant 0 : i32
      %add3A_104 = arith.addi %mul3A_102, %add3A_103 : i32
      %swap3A_105 = arith.index_cast %add3A_104 : i32 to index
      %swap3A_106 = arith.constant 48 : index
      %swap3A_107 = tpu.vector_load %arg7[%swap3A_105, %swap3A_106] {strides = array<i32>} : memref<256x64xf32, #tpu.memory_space<vmem>>, vector<1x16xf32>,
      %swap3A_108 = vector.shape_cast %swap3A_107 : vector<1x16xf32> to vector<16xf32>
      %swap3A_109 = vector.shape_cast %mul3A_100 : vector<16xf32> to vector<1x16xf32>
      tpu.vector_store %arg7[%swap3A_105, %swap3A_106], %swap3A_109 {strides = array<i32>} : memref<256x64xf32, #tpu.memory_space<vmem>>, vector<1x16xf32>,
      %broadcast_in_dim3A_110 = arith.constant 0.000000e+00 : f32
      %broadcast_in_dim3A_111 = vector.broadcast %broadcast_in_dim3A_110 : f32 to vector<16xf32>
      %broadcast_in_dim3A_112 = arith.constant 0.000000e+00 : f32
      %broadcast_in_dim3A_113 = vector.broadcast %broadcast_in_dim3A_112 : f32 to vector<16xf32>
      %broadcast_in_dim3A_114 = arith.constant 0.000000e+00 : f32
      %broadcast_in_dim3A_115 = vector.broadcast %broadcast_in_dim3A_114 : f32 to vector<16xf32>
      %broadcast_in_dim3A_116 = arith.constant 0.000000e+00 : f32
      %broadcast_in_dim3A_117 = vector.broadcast %broadcast_in_dim3A_116 : f32 to vector<16xf32>
      %scan3A_118 = arith.constant 0 : i32
      %scan3A_119 = arith.constant 50 : i32
      %scan3A_120 = arith.addi %scan3A_118, %scan3A_119 : i32
      %scan3A_121 = arith.constant 5 : i32
      %scan3A_122:4 = scf.for %scan3A_176 = %scan3A_118 to %scan3A_120 step %scan3A_121 iter_args(%scan3A_177 = %broadcast_in_dim3A_111, %scan3A_178 = %broadcast_in_dim3A_113, %scan3A_179 = %broadcast_in_dim3A_115, %scan3A_180 = %broadcast_in_dim3A_117) -> (vector<16xf32>, vector<16xf32>, vector<16xf32>, vector<16xf32>)  : i32 {
        %add3A_181 = arith.constant 50 : i32
        %add3A_182 = arith.addi %add3A_181, %scan3A_176 : i32
        %get3A = arith.index_cast %rem3A_38 : i32 to index
        %get3A_183 = arith.index_cast %add3A_182 : i32 to index
        %get3A_184 = arith.constant 0 : index
        %get3A_185 = tpu.vector_load %arg6[%get3A, %get3A_183, %get3A_184] {strides = array<i32>} : memref<2x100x64xf32, #tpu.memory_space<vmem>>, vector<1x1x16xf32>,
        %get3A_186 = vector.shape_cast %get3A_185 : vector<1x1x16xf32> to vector<16xf32>
        %add3A_187 = arith.addf %scan3A_177, %get3A_186 : vector<16xf32>
        %get3A_188 = arith.index_cast %rem3A_38 : i32 to index
        %get3A_189 = arith.index_cast %add3A_182 : i32 to index
        %get3A_190 = arith.constant 16 : index
        %get3A_191 = tpu.vector_load %arg6[%get3A_188, %get3A_189, %get3A_190] {strides = array<i32>} : memref<2x100x64xf32, #tpu.memory_space<vmem>>, vector<1x1x16xf32>,
        %get3A_192 = vector.shape_cast %get3A_191 : vector<1x1x16xf32> to vector<16xf32>
        %add3A_193 = arith.addf %scan3A_178, %get3A_192 : vector<16xf32>
        %get3A_194 = arith.index_cast %rem3A_38 : i32 to index
        %get3A_195 = arith.index_cast %add3A_182 : i32 to index
        %get3A_196 = arith.constant 32 : index
        %get3A_197 = tpu.vector_load %arg6[%get3A_194, %get3A_195, %get3A_196] {strides = array<i32>} : memref<2x100x64xf32, #tpu.memory_space<vmem>>, vector<1x1x16xf32>,
        %get3A_198 = vector.shape_cast %get3A_197 : vector<1x1x16xf32> to vector<16xf32>
        %add3A_199 = arith.addf %scan3A_179, %get3A_198 : vector<16xf32>
        %get3A_200 = arith.index_cast %rem3A_38 : i32 to index
        %get3A_201 = arith.index_cast %add3A_182 : i32 to index
        %get3A_202 = arith.constant 48 : index
        %get3A_203 = tpu.vector_load %arg6[%get3A_200, %get3A_201, %get3A_202] {strides = array<i32>} : memref<2x100x64xf32, #tpu.memory_space<vmem>>, vector<1x1x16xf32>,
        %get3A_204 = vector.shape_cast %get3A_203 : vector<1x1x16xf32> to vector<16xf32>
        %add3A_205 = arith.addf %scan3A_180, %get3A_204 : vector<16xf32>
        %scan3A_206 = arith.constant 1 : i32
        %scan3A_207 = arith.addi %scan3A_176, %scan3A_206 : i32
        %add3A_208 = arith.constant 50 : i32
        %add3A_209 = arith.addi %add3A_208, %scan3A_207 : i32
        %get3A_210 = arith.index_cast %rem3A_38 : i32 to index
        %get3A_211 = arith.index_cast %add3A_209 : i32 to index
        %get3A_212 = arith.constant 0 : index
        %get3A_213 = tpu.vector_load %arg6[%get3A_210, %get3A_211, %get3A_212] {strides = array<i32>} : memref<2x100x64xf32, #tpu.memory_space<vmem>>, vector<1x1x16xf32>,
        %get3A_214 = vector.shape_cast %get3A_213 : vector<1x1x16xf32> to vector<16xf32>
        %add3A_215 = arith.addf %add3A_187, %get3A_214 : vector<16xf32>
        %get3A_216 = arith.index_cast %rem3A_38 : i32 to index
        %get3A_217 = arith.index_cast %add3A_209 : i32 to index
        %get3A_218 = arith.constant 16 : index
        %get3A_219 = tpu.vector_load %arg6[%get3A_216, %get3A_217, %get3A_218] {strides = array<i32>} : memref<2x100x64xf32, #tpu.memory_space<vmem>>, vector<1x1x16xf32>,
        %get3A_220 = vector.shape_cast %get3A_219 : vector<1x1x16xf32> to vector<16xf32>
        %add3A_221 = arith.addf %add3A_193, %get3A_220 : vector<16xf32>
        %get3A_222 = arith.index_cast %rem3A_38 : i32 to index
        %get3A_223 = arith.index_cast %add3A_209 : i32 to index
        %get3A_224 = arith.constant 32 : index
        %get3A_225 = tpu.vector_load %arg6[%get3A_222, %get3A_223, %get3A_224] {strides = array<i32>} : memref<2x100x64xf32, #tpu.memory_space<vmem>>, vector<1x1x16xf32>,
        %get3A_226 = vector.shape_cast %get3A_225 : vector<1x1x16xf32> to vector<16xf32>
        %add3A_227 = arith.addf %add3A_199, %get3A_226 : vector<16xf32>
        %get3A_228 = arith.index_cast %rem3A_38 : i32 to index
        %get3A_229 = arith.index_cast %add3A_209 : i32 to index
        %get3A_230 = arith.constant 48 : index
        %get3A_231 = tpu.vector_load %arg6[%get3A_228, %get3A_229, %get3A_230] {strides = array<i32>} : memref<2x100x64xf32, #tpu.memory_space<vmem>>, vector<1x1x16xf32>,
        %get3A_232 = vector.shape_cast %get3A_231 : vector<1x1x16xf32> to vector<16xf32>
        %add3A_233 = arith.addf %add3A_205, %get3A_232 : vector<16xf32>
        %scan3A_234 = arith.constant 2 : i32
        %scan3A_235 = arith.addi %scan3A_176, %scan3A_234 : i32
        %add3A_236 = arith.constant 50 : i32
        %add3A_237 = arith.addi %add3A_236, %scan3A_235 : i32
        %get3A_238 = arith.index_cast %rem3A_38 : i32 to index
        %get3A_239 = arith.index_cast %add3A_237 : i32 to index
        %get3A_240 = arith.constant 0 : index
        %get3A_241 = tpu.vector_load %arg6[%get3A_238, %get3A_239, %get3A_240] {strides = array<i32>} : memref<2x100x64xf32, #tpu.memory_space<vmem>>, vector<1x1x16xf32>,
        %get3A_242 = vector.shape_cast %get3A_241 : vector<1x1x16xf32> to vector<16xf32>
        %add3A_243 = arith.addf %add3A_215, %get3A_242 : vector<16xf32>
        %get3A_244 = arith.index_cast %rem3A_38 : i32 to index
        %get3A_245 = arith.index_cast %add3A_237 : i32 to index
        %get3A_246 = arith.constant 16 : index
        %get3A_247 = tpu.vector_load %arg6[%get3A_244, %get3A_245, %get3A_246] {strides = array<i32>} : memref<2x100x64xf32, #tpu.memory_space<vmem>>, vector<1x1x16xf32>,
        %get3A_248 = vector.shape_cast %get3A_247 : vector<1x1x16xf32> to vector<16xf32>
        %add3A_249 = arith.addf %add3A_221, %get3A_248 : vector<16xf32>
        %get3A_250 = arith.index_cast %rem3A_38 : i32 to index
        %get3A_251 = arith.index_cast %add3A_237 : i32 to index
        %get3A_252 = arith.constant 32 : index
        %get3A_253 = tpu.vector_load %arg6[%get3A_250, %get3A_251, %get3A_252] {strides = array<i32>} : memref<2x100x64xf32, #tpu.memory_space<vmem>>, vector<1x1x16xf32>,
        %get3A_254 = vector.shape_cast %get3A_253 : vector<1x1x16xf32> to vector<16xf32>
        %add3A_255 = arith.addf %add3A_227, %get3A_254 : vector<16xf32>
        %get3A_256 = arith.index_cast %rem3A_38 : i32 to index
        %get3A_257 = arith.index_cast %add3A_237 : i32 to index
        %get3A_258 = arith.constant 48 : index
        %get3A_259 = tpu.vector_load %arg6[%get3A_256, %get3A_257, %get3A_258] {strides = array<i32>} : memref<2x100x64xf32, #tpu.memory_space<vmem>>, vector<1x1x16xf32>,
        %get3A_260 = vector.shape_cast %get3A_259 : vector<1x1x16xf32> to vector<16xf32>
        %add3A_261 = arith.addf %add3A_233, %get3A_260 : vector<16xf32>
        %scan3A_262 = arith.constant 3 : i32
        %scan3A_263 = arith.addi %scan3A_176, %scan3A_262 : i32
        %add3A_264 = arith.constant 50 : i32
        %add3A_265 = arith.addi %add3A_264, %scan3A_263 : i32
        %get3A_266 = arith.index_cast %rem3A_38 : i32 to index
        %get3A_267 = arith.index_cast %add3A_265 : i32 to index
        %get3A_268 = arith.constant 0 : index
        %get3A_269 = tpu.vector_load %arg6[%get3A_266, %get3A_267, %get3A_268] {strides = array<i32>} : memref<2x100x64xf32, #tpu.memory_space<vmem>>, vector<1x1x16xf32>,
        %get3A_270 = vector.shape_cast %get3A_269 : vector<1x1x16xf32> to vector<16xf32>
        %add3A_271 = arith.addf %add3A_243, %get3A_270 : vector<16xf32>
        %get3A_272 = arith.index_cast %rem3A_38 : i32 to index
        %get3A_273 = arith.index_cast %add3A_265 : i32 to index
        %get3A_274 = arith.constant 16 : index
        %get3A_275 = tpu.vector_load %arg6[%get3A_272, %get3A_273, %get3A_274] {strides = array<i32>} : memref<2x100x64xf32, #tpu.memory_space<vmem>>, vector<1x1x16xf32>,
        %get3A_276 = vector.shape_cast %get3A_275 : vector<1x1x16xf32> to vector<16xf32>
        %add3A_277 = arith.addf %add3A_249, %get3A_276 : vector<16xf32>
        %get3A_278 = arith.index_cast %rem3A_38 : i32 to index
        %get3A_279 = arith.index_cast %add3A_265 : i32 to index
        %get3A_280 = arith.constant 32 : index
        %get3A_281 = tpu.vector_load %arg6[%get3A_278, %get3A_279, %get3A_280] {strides = array<i32>} : memref<2x100x64xf32, #tpu.memory_space<vmem>>, vector<1x1x16xf32>,
        %get3A_282 = vector.shape_cast %get3A_281 : vector<1x1x16xf32> to vector<16xf32>
        %add3A_283 = arith.addf %add3A_255, %get3A_282 : vector<16xf32>
        %get3A_284 = arith.index_cast %rem3A_38 : i32 to index
        %get3A_285 = arith.index_cast %add3A_265 : i32 to index
        %get3A_286 = arith.constant 48 : index
        %get3A_287 = tpu.vector_load %arg6[%get3A_284, %get3A_285, %get3A_286] {strides = array<i32>} : memref<2x100x64xf32, #tpu.memory_space<vmem>>, vector<1x1x16xf32>,
        %get3A_288 = vector.shape_cast %get3A_287 : vector<1x1x16xf32> to vector<16xf32>
        %add3A_289 = arith.addf %add3A_261, %get3A_288 : vector<16xf32>
        %scan3A_290 = arith.constant 4 : i32
        %scan3A_291 = arith.addi %scan3A_176, %scan3A_290 : i32
        %add3A_292 = arith.constant 50 : i32
        %add3A_293 = arith.addi %add3A_292, %scan3A_291 : i32
        %get3A_294 = arith.index_cast %rem3A_38 : i32 to index
        %get3A_295 = arith.index_cast %add3A_293 : i32 to index
        %get3A_296 = arith.constant 0 : index
        %get3A_297 = tpu.vector_load %arg6[%get3A_294, %get3A_295, %get3A_296] {strides = array<i32>} : memref<2x100x64xf32, #tpu.memory_space<vmem>>, vector<1x1x16xf32>,
        %get3A_298 = vector.shape_cast %get3A_297 : vector<1x1x16xf32> to vector<16xf32>
        %add3A_299 = arith.addf %add3A_271, %get3A_298 : vector<16xf32>
        %get3A_300 = arith.index_cast %rem3A_38 : i32 to index
        %get3A_301 = arith.index_cast %add3A_293 : i32 to index
        %get3A_302 = arith.constant 16 : index
        %get3A_303 = tpu.vector_load %arg6[%get3A_300, %get3A_301, %get3A_302] {strides = array<i32>} : memref<2x100x64xf32, #tpu.memory_space<vmem>>, vector<1x1x16xf32>,
        %get3A_304 = vector.shape_cast %get3A_303 : vector<1x1x16xf32> to vector<16xf32>
        %add3A_305 = arith.addf %add3A_277, %get3A_304 : vector<16xf32>
        %get3A_306 = arith.index_cast %rem3A_38 : i32 to index
        %get3A_307 = arith.index_cast %add3A_293 : i32 to index
        %get3A_308 = arith.constant 32 : index
        %get3A_309 = tpu.vector_load %arg6[%get3A_306, %get3A_307, %get3A_308] {strides = array<i32>} : memref<2x100x64xf32, #tpu.memory_space<vmem>>, vector<1x1x16xf32>,
        %get3A_310 = vector.shape_cast %get3A_309 : vector<1x1x16xf32> to vector<16xf32>
        %add3A_311 = arith.addf %add3A_283, %get3A_310 : vector<16xf32>
        %get3A_312 = arith.index_cast %rem3A_38 : i32 to index
        %get3A_313 = arith.index_cast %add3A_293 : i32 to index
        %get3A_314 = arith.constant 48 : index
        %get3A_315 = tpu.vector_load %arg6[%get3A_312, %get3A_313, %get3A_314] {strides = array<i32>} : memref<2x100x64xf32, #tpu.memory_space<vmem>>, vector<1x1x16xf32>,
        %get3A_316 = vector.shape_cast %get3A_315 : vector<1x1x16xf32> to vector<16xf32>
        %add3A_317 = arith.addf %add3A_289, %get3A_316 : vector<16xf32>
        scf.yield %add3A_299, %add3A_305, %add3A_311, %add3A_317 : vector<16xf32>, vector<16xf32>, vector<16xf32>, vector<16xf32>
      }
      %scan3A_123 = arith.constant 50 : i32
      %mul3A_124 = arith.constant 2.000000e-02 : f32
      %mul3A_125 = vector.broadcast %mul3A_124 : f32 to vector<16xf32>
      %mul3A_126 = arith.mulf %scan3A_122#0, %mul3A_125 : vector<16xf32>
      %mul3A_127 = arith.constant 2 : i32
      %mul3A_128 = arith.muli %mul3A_127, %scan3A_37 : i32
      %add3A_129 = arith.constant 1 : i32
      %add3A_130 = arith.addi %mul3A_128, %add3A_129 : i32
      %swap3A_131 = arith.index_cast %add3A_130 : i32 to index
      %swap3A_132 = arith.constant 0 : index
      %swap3A_133 = tpu.vector_load %arg7[%swap3A_131, %swap3A_132] {strides = array<i32>} : memref<256x64xf32, #tpu.memory_space<vmem>>, vector<1x16xf32>,
      %swap3A_134 = vector.shape_cast %swap3A_133 : vector<1x16xf32> to vector<16xf32>
      %swap3A_135 = vector.shape_cast %mul3A_126 : vector<16xf32> to vector<1x16xf32>
      tpu.vector_store %arg7[%swap3A_131, %swap3A_132], %swap3A_135 {strides = array<i32>} : memref<256x64xf32, #tpu.memory_space<vmem>>, vector<1x16xf32>,
      %mul3A_136 = arith.constant 2.000000e-02 : f32
      %mul3A_137 = vector.broadcast %mul3A_136 : f32 to vector<16xf32>
      %mul3A_138 = arith.mulf %scan3A_122#1, %mul3A_137 : vector<16xf32>
      %mul3A_139 = arith.constant 2 : i32
      %mul3A_140 = arith.muli %mul3A_139, %scan3A_37 : i32
      %add3A_141 = arith.constant 1 : i32
      %add3A_142 = arith.addi %mul3A_140, %add3A_141 : i32
      %swap3A_143 = arith.index_cast %add3A_142 : i32 to index
      %swap3A_144 = arith.constant 16 : index
      %swap3A_145 = tpu.vector_load %arg7[%swap3A_143, %swap3A_144] {strides = array<i32>} : memref<256x64xf32, #tpu.memory_space<vmem>>, vector<1x16xf32>,
      %swap3A_146 = vector.shape_cast %swap3A_145 : vector<1x16xf32> to vector<16xf32>
      %swap3A_147 = vector.shape_cast %mul3A_138 : vector<16xf32> to vector<1x16xf32>
      tpu.vector_store %arg7[%swap3A_143, %swap3A_144], %swap3A_147 {strides = array<i32>} : memref<256x64xf32, #tpu.memory_space<vmem>>, vector<1x16xf32>,
      %mul3A_148 = arith.constant 2.000000e-02 : f32
      %mul3A_149 = vector.broadcast %mul3A_148 : f32 to vector<16xf32>
      %mul3A_150 = arith.mulf %scan3A_122#2, %mul3A_149 : vector<16xf32>
      %mul3A_151 = arith.constant 2 : i32
      %mul3A_152 = arith.muli %mul3A_151, %scan3A_37 : i32
      %add3A_153 = arith.constant 1 : i32
      %add3A_154 = arith.addi %mul3A_152, %add3A_153 : i32
      %swap3A_155 = arith.index_cast %add3A_154 : i32 to index
      %swap3A_156 = arith.constant 32 : index
      %swap3A_157 = tpu.vector_load %arg7[%swap3A_155, %swap3A_156] {strides = array<i32>} : memref<256x64xf32, #tpu.memory_space<vmem>>, vector<1x16xf32>,
      %swap3A_158 = vector.shape_cast %swap3A_157 : vector<1x16xf32> to vector<16xf32>
      %swap3A_159 = vector.shape_cast %mul3A_150 : vector<16xf32> to vector<1x16xf32>
      tpu.vector_store %arg7[%swap3A_155, %swap3A_156], %swap3A_159 {strides = array<i32>} : memref<256x64xf32, #tpu.memory_space<vmem>>, vector<1x16xf32>,
      %mul3A_160 = arith.constant 2.000000e-02 : f32
      %mul3A_161 = vector.broadcast %mul3A_160 : f32 to vector<16xf32>
      %mul3A_162 = arith.mulf %scan3A_122#3, %mul3A_161 : vector<16xf32>
      %mul3A_163 = arith.constant 2 : i32
      %mul3A_164 = arith.muli %mul3A_163, %scan3A_37 : i32
      %add3A_165 = arith.constant 1 : i32
      %add3A_166 = arith.addi %mul3A_164, %add3A_165 : i32
      %swap3A_167 = arith.index_cast %add3A_166 : i32 to index
      %swap3A_168 = arith.constant 48 : index
      %swap3A_169 = tpu.vector_load %arg7[%swap3A_167, %swap3A_168] {strides = array<i32>} : memref<256x64xf32, #tpu.memory_space<vmem>>, vector<1x16xf32>,
      %swap3A_170 = vector.shape_cast %swap3A_169 : vector<1x16xf32> to vector<16xf32>
      %swap3A_171 = vector.shape_cast %mul3A_162 : vector<16xf32> to vector<1x16xf32>
      tpu.vector_store %arg7[%swap3A_167, %swap3A_168], %swap3A_171 {strides = array<i32>} : memref<256x64xf32, #tpu.memory_space<vmem>>, vector<1x16xf32>,
      %add3A_172 = arith.constant 2 : i32
      %add3A_173 = arith.addi %scan3A_37, %add3A_172 : i32
      %lt3A = arith.constant 128 : i32
      %lt3A_174 = arith.cmpi slt, %add3A_173, %lt3A : i32
      %convert_element_type3A = arith.extui %lt3A_174 : i1 to i32
      %cond3A = arith.constant 0 : i32
      %cond3A_175 = arith.cmpi ne, %convert_element_type3A, %cond3A : i32
      scf.if %cond3A_175 {
        %add3A_176 = arith.constant 2 : i32
        %add3A_177 = arith.addi %scan3A_37, %add3A_176 : i32
        %dma_start3A_178 = arith.constant 0 : i32
        %dma_start3A_179 = arith.constant 0 : i32
        %dma_start3A_180 = tpu.memref_slice %arg6[%rem3A_38, %dma_start3A_178, %dma_start3A_179] : memref<2x100x64xf32, #tpu.memory_space<vmem>> -> memref<1x100x64xf32, #tpu.memory_space<vmem>>
        %dma_start3A_181 = tpu.memref_squeeze %dma_start3A_180 : memref<1x100x64xf32, #tpu.memory_space<vmem>> -> memref<100x64xf32, #tpu.memory_space<vmem>>
        %dma_start3A_182 = arith.constant 0 : i32
        %dma_start3A_183 = tpu.memref_slice %arg5[%add3A_177, %dma_start3A_182] : memref<128x100xi32, #tpu.memory_space<vmem>> -> memref<1x100xi32, #tpu.memory_space<vmem>>
        %dma_start3A_184 = tpu.memref_squeeze %dma_start3A_183 : memref<1x100xi32, #tpu.memory_space<vmem>> -> memref<100xi32, #tpu.memory_space<vmem>>
        %dma_start3A_185 = arith.constant 0 : i32
        %dma_start3A_186 = arith.constant 0 : i32
        %dma_start3A_187 = tpu.memref_slice %arg3[%dma_start3A_185, %dma_start3A_186] : memref<1000000x64xf32, #tpu.memory_space<hbm>> -> memref<1000000x64xf32, #tpu.memory_space<hbm>>
        %dma_start3A_188 = tpu.memref_slice %arg8[%rem3A_38] : memref<2x!tpu.dma_semaphore, #tpu.memory_space<semaphore_mem>> -> memref<1x!tpu.dma_semaphore, #tpu.memory_space<semaphore_mem>>
        %dma_start3A_189 = tpu.memref_squeeze %dma_start3A_188 : memref<1x!tpu.dma_semaphore, #tpu.memory_space<semaphore_mem>> -> memref<!tpu.dma_semaphore, #tpu.memory_space<semaphore_mem>>
        tpu.enqueue_indirect_dma source(%dma_start3A_187 : memref<1000000x64xf32, #tpu.memory_space<hbm>>) target(%dma_start3A_181 : memref<100x64xf32, #tpu.memory_space<vmem>>) offsets(%dma_start3A_184 : memref<100xi32, #tpu.memory_space<vmem>>) semaphore(%dma_start3A_189 : memref<!tpu.dma_semaphore, #tpu.memory_space<semaphore_mem>>)
      } else {
      }
    }
    %scan3A_34 = arith.constant 128 : i32
    %mul3A_35 = arith.constant 256 : i32
    %mul3A_36 = arith.muli %add3A, %mul3A_35 : i32
    "tpu.region"() ({
      %run_scoped3A = tpu.sem_alloc : memref<!tpu.dma_semaphore, #tpu.memory_space<semaphore_mem>>
      %dma_start3A_37 = arith.constant 0 : i32
      %dma_start3A_38 = tpu.memref_slice %arg4[%mul3A_36, %dma_start3A_37] : memref<8192x64xf32, #tpu.memory_space<hbm>> -> memref<256x64xf32, #tpu.memory_space<hbm>>
      %dma_start3A_39 = arith.constant 0 : i32
      %dma_start3A_40 = tpu.memref_slice %arg4[%mul3A_36, %dma_start3A_39] : memref<8192x64xf32, #tpu.memory_space<hbm>> -> memref<256x64xf32, #tpu.memory_space<hbm>>
      tpu.enqueue_dma source(%arg7 : memref<256x64xf32, #tpu.memory_space<vmem>>) target(%dma_start3A_40 : memref<256x64xf32, #tpu.memory_space<hbm>>) target_semaphore(%run_scoped3A : memref<!tpu.dma_semaphore, #tpu.memory_space<semaphore_mem>>)
      %dma_wait3A = arith.constant 0 : i32
      %dma_wait3A_41 = tpu.memref_slice %arg4[%mul3A_36, %dma_wait3A] : memref<8192x64xf32, #tpu.memory_space<hbm>> -> memref<256x64xf32, #tpu.memory_space<hbm>>
      %dma_wait3A_42 = arith.constant 0 : i32
      %dma_wait3A_43 = tpu.memref_slice %arg4[%mul3A_36, %dma_wait3A_42] : memref<8192x64xf32, #tpu.memory_space<hbm>> -> memref<256x64xf32, #tpu.memory_space<hbm>>
      tpu.wait_dma2 semaphore(%run_scoped3A : memref<!tpu.dma_semaphore, #tpu.memory_space<semaphore_mem>>) src(%arg7 : memref<256x64xf32, #tpu.memory_space<vmem>>) dst(%dma_wait3A_43 : memref<256x64xf32, #tpu.memory_space<hbm>>)
      tpu.yield
    }) : () -> ()
    return
  }
}

</mosaic_0001>

<sc_bundles>
// kernel: _sc_gather_mean.3.cloned.1.call-start
scs
__scs_entry_jumppad:
0x0: {  	(pc) =	sbr.rel $0x88, $3  }
0x1: {  	(tag) =	ssettag $0x0;
	lr =	simm.s32 $0x1  }
0x2: {  	[smem:$0x3F9F] =	sst lr;
	_ =	strace $0xD0000000  }
0x3: {  	_ = 	snop  }
0x4: {  	_ = 	snop  }
0x5: {  	_ = 	snop  }
0x6: {  	_ = 	snop  }
0x7: {  	_ = 	snop  }
__scs_overlays_trampoline_lowered:
0x8: {  	[smem:$0x3FAE] =	sst s0  }
0x9: {  	[smem:$0x3FAF] =	sst s1  }
0xa: {  	[smem:$0x3FB0] =	sst s2  }
0xb: {  	[smem:$0x3FB1] =	sst s3  }
0xc: {  	[smem:$0x3FB2] =	sst s4  }
0xd: {  	[smem:$0x3FB3] =	sst s5  }
0xe: {  	[smem:$0x3FB4] =	sst s6  }
0xf: {  	[smem:$0x3FB5] =	sst s7  }
0x10: {  	[smem:$0x3FB6] =	sst s8  }
0x11: {  	[smem:$0x3FB7] =	sst s9;
	s0 =	simm.s32 @!p0 $0x0  }
0x12: {  	s1 =	sld [smem:$0x3F9D];
	s0 =	simm.s32 @p0 $0x1  }
0x13: {  	[smem:$0x3FB8] =	sst s0;
	s0 =	simm.s32 @!p1 $0x0  }
0x14: {  	s2 =	sld [smem:$0x3F9C];
	s0 =	simm.s32 @p1 $0x1  }
0x15: {  	[smem:$0x3FB9] =	sst s0;
	s0 =	simm.s32 @!p2 $0x0  }
0x16: {  	s3 =	sld [smem:$0x3FDB];
	s0 =	simm.s32 @p2 $0x1  }
0x17: {  	s4 =	simm.s32 $0x1BF5;
	[smem:$0x3FBB] =	sst s0  }
0x18: {  	s0 =	sld [smem:$0x3F9E];
	_ =	swait.ge [sflag:s4], $0x0  }
0x19: {  	s7 =	sld [smem:$0x3F9F]  }
0x1a: {  	s8 =	sadd.s32 $0xFFFFE003, lr  }
0x1b: {  	s9 =	sadd.s32 $0xFFFFFEF7, lr;
	s5 =	simm.s32 $0xFFFFFFFF;
	p2 =	slt.u32 s8, $0xFFFFF086  }
0x1c: {  	p1 =	slt.u32 s9, $0xF7A;
	s5 =	simm.s32 @!p2 $0x0  }
0x1d: {  	s5 =	simm.s32 @p1 $0x1;
	p0 =	seq.s32 s7, s2  }
0x1e: {  	s7 =	smul.u32 @!p0 $0xF7A, s2;
	p2 =	seq.s32 @!p0 s5, $0x0  }
0x1f: {  	s9 =	smul.u32 $0xF7A, s1;
	s8 =	simm.s32 @!p0 $0x1BF5;
	p2 =	por !p2, p0  }
0x20: {  	[sflag:s8] =	ssyncset.s32 @!p0 $0xFFFFF086;
	s6 =	sadd.s32 @!p0 s3, s7;
	s7 =	simm.s32 @!p0 $0x108  }
0x21: {  	s3 =	sadd.s32 s3, s9;
	s6 =	sadd.s32 @!p0 $0x88, s6;
	s7 =	simm.s32 @p2 $0x1082  }
0x22: {  	[simem:s7], [sflag:s8] =	dma.local @!p0 [hbm:s6], $0xF7A  }
0x23: {  	s9 =	sor.u32 $0xD0000000, s2;
	s6 =	simm.s32 $0x108;
	_ =	swait.ge @!p0 [sflag:s8], $0x0  }
0x24: {  	s3 =	sadd.s32 $0x88, s3;
	s6 =	simm.s32 @!p1 $0x1082;
	[sflag:s4] =	ssyncset.s32 $0xFFFFF086  }
0x25: {  	[simem:s6], [sflag:s4] =	dma.local [hbm:s3], $0xF7A  }
0x26: {  	[smem:$0x3F9F] =	sst s1;
	(tag) =	ssettag s2;
	_ =	strace s9  }
0x27: {  	s1 =	sld [smem:$0x3FAF]  }
0x28: {  	s2 =	sld [smem:$0x3FB0]  }
0x29: {  	s4 =	sld [smem:$0x3FB2]  }
0x2a: {  	p0 =	seq.s32 s5, $0x0;
	s5 =	sld [smem:$0x3FB3]  }
0x2b: {  	s6 =	sld [smem:$0x3FB4]  }
0x2c: {  	s7 =	sld [smem:$0x3FB5]  }
0x2d: {  	s3 =	simm.s32 $0x108;
	s8 =	sld [smem:$0x3FB6]  }
0x2e: {  	s3 =	simm.s32 @!p0 $0x1082;
	s9 =	sld [smem:$0x3FB7]  }
0x2f: {  	lr =	sadd.s32 s0, s3;
	s0 =	sld [smem:$0x3FAE]  }
0x30: {  	s3 =	sld [smem:$0x3FB1]  }
0x31: {  	[smem:$0x3FBA] =	sst s10  }
0x32: {  	s10 =	sld [smem:$0x3FB8];
	_ =	sdelay $0x3  }
0x33: {  	p0 =	seq.s32 s10, $0x1;
	s10 =	sld [smem:$0x3FBA];
	_ =	sdelay $0x3  }
0x34: {  	[smem:$0x3FBA] =	sst s10  }
0x35: {  	s10 =	sld [smem:$0x3FB9];
	_ =	sdelay $0x3  }
0x36: {  	p1 =	seq.s32 s10, $0x1;
	s10 =	sld [smem:$0x3FBA];
	_ =	sdelay $0x3  }
0x37: {  	[smem:$0x3FBA] =	sst s10  }
0x38: {  	s10 =	sld [smem:$0x3FBB]  }
0x39: {  	_ = 	snop;
	(pc) =	sbr.ind lr, $3  }
0x3a: {  	_ = 	snop  }
0x3b: {  	_ = 	snop  }
0x3c: {  	p2 =	seq.s32 s10, $0x1;
	s10 =	sld [smem:$0x3FBA]  }
0x3d: {  	_ =	shalt  }
0x3e: {  	_ =	shalt  }
0x3f: {  	_ =	shalt  }
0x40: {  	_ =	shalt  }
0x41: {  	_ =	shalt  }
0x42: {  	_ =	shalt  }
0x43: {  	_ =	shalt  }
0x44: {  	_ =	shalt  }
0x45: {  	_ =	shalt  }
0x46: {  	_ =	shalt  }
0x47: {  	_ =	shalt  }
0x48: {  	_ =	shalt  }
0x49: {  	_ =	shalt  }
0x4a: {  	_ =	shalt  }
0x4b: {  	_ =	shalt  }
0x4c: {  	_ =	shalt  }
0x4d: {  	_ =	shalt  }
0x4e: {  	_ =	shalt  }
0x4f: {  	_ =	shalt  }
0x50: {  	_ =	shalt  }
0x51: {  	_ =	shalt  }
0x52: {  	_ =	shalt  }
0x53: {  	_ =	shalt  }
0x54: {  	_ =	shalt  }
0x55: {  	_ =	shalt  }
0x56: {  	_ =	shalt  }
0x57: {  	_ =	shalt  }
0x58: {  	_ =	shalt  }
0x59: {  	_ =	shalt  }
0x5a: {  	_ =	shalt  }
0x5b: {  	_ =	shalt  }
0x5c: {  	_ =	shalt  }
0x5d: {  	_ =	shalt  }
0x5e: {  	_ =	shalt  }
0x5f: {  	_ =	shalt  }
0x60: {  	_ =	shalt  }
0x61: {  	_ =	shalt  }
0x62: {  	_ =	shalt  }
0x63: {  	_ =	shalt  }
0x64: {  	_ =	shalt  }
0x65: {  	_ =	shalt  }
0x66: {  	_ =	shalt  }
0x67: {  	_ =	shalt  }
0x68: {  	_ =	shalt  }
0x69: {  	_ =	shalt  }
0x6a: {  	_ =	shalt  }
0x6b: {  	_ =	shalt  }
0x6c: {  	_ =	shalt  }
0x6d: {  	_ =	shalt  }
0x6e: {  	_ =	shalt  }
0x6f: {  	_ =	shalt  }
0x70: {  	_ =	shalt  }
0x71: {  	_ =	shalt  }
0x72: {  	_ =	shalt  }
0x73: {  	_ =	shalt  }
0x74: {  	_ =	shalt  }
0x75: {  	_ =	shalt  }
0x76: {  	_ =	shalt  }
0x77: {  	_ =	shalt  }
0x78: {  	_ =	shalt  }
0x79: {  	_ =	shalt  }
0x7a: {  	_ =	shalt  }
0x7b: {  	_ =	shalt  }
0x7c: {  	_ =	shalt  }
0x7d: {  	_ =	shalt  }
0x7e: {  	_ =	shalt  }
0x7f: {  	_ =	shalt  }
0x80: {  	_ =	shalt  }
0x81: {  	_ =	shalt  }
0x82: {  	_ =	shalt  }
0x83: {  	_ =	shalt  }
0x84: {  	_ =	shalt  }
0x85: {  	_ =	shalt  }
0x86: {  	_ =	shalt  }
0x87: {  	_ =	shalt  }
.Lfunc_end0:
.L_simem_size_0:
called_computation_lowered:
.L_overlay_start_0:
0x88: {  	s2 =	sld [smem:$0x3FD9]  }
0x89: {  	s3 =	sld [smem:$0x3FFE];
	_ =	sdelay $0x1  }
0x8a: {  	s1 =	srdreg.scid  }
0x8b: {  	s0 =	sand.u32 $0x1, s1  }
0x8c: {  	s17 =	sshll.u32 s0, $0xA;
	s2 =	sadd.s32 s3, s2  }
0x8d: {  	s2 =	sadd.s32 s2, s17  }
0x8e: {  	[smem:$0x3FC6] =	sst s2  }
0x8f: {  	_ = 	snop  }
0x90: {  	s2 =	sld [smem:$0x3FD0];
	(tm) =	ssettm $0x1  }
0x91: {  	s18 =	sld [smem:$0x3FFB];
	_ =	sdelay $0x3  }
0x92: {  	_ =	strace s18  }
0x93: {  	s3 =	sld [smem:$0x3FFC];
	_ =	sdelay $0x3  }
0x94: {  	_ =	strace s3  }
0x95: {  	s3 =	sld [smem:$0x3FFD];
	_ =	sdelay $0x3  }
0x96: {  	_ =	strace s3  }
0x97: {  	_ =	strace $0x8FFFFFFF  }
0x98: {  	s19 =	sld [smem:$0x3FDB];
	_ =	sdelay $0x1  }
0x99: {  	s4 =	simm.s32 $_scs_section_size  }
0x9a: {  	s5 =	simm.s32 $_size__tile_overlayer_lowered;
	s6 =	simm.s32 $_tile_overlayer_lowered  }
0x9b: {  	s22 =	simm.s32 $0x1BFF;
	s21 =	sshll.u32 s6, $0x1;
	s3 =	sadd.s32 s4, s19  }
0x9c: {  	s7 =	simm.s32 $0x0;
	s20 =	sshll.u32 s5, $0x1;
	s5 =	sadd.s32 s21, s3  }
0x9d: {  	[timem:s7], [sflag:s22] =	dma.local [hbm:s5], s20  }
0x9e: {  	_ =	swait.ge [sflag:s22], s20  }
0x9f: {  	s4 =	ssub.s32 $0x0, s20;
	[sflag:s22] =	ssyncset.done $0x0  }
0xa0: {  	[sflag:s22] =	ssyncadd.s32 s4;
	_ =	sdelay $0x1  }
0xa1: {  	s23 =	simm.s32 $0x1B8B  }
0xa2: {  	_ =	swait.ge [sflag:s23], $0x1  }
0xa3: {  	[sflag:s23] =	ssyncset.done $0x0  }
0xa4: {  	s25 =	simm.s32 $0x1B8E;
	s24 =	sld [smem:$0x3FFE];
	[sflag:s23] =	ssyncadd.s32 $0xFFFFFFFF  }
0xa5: {  	s26 =	simm.s32 $execute0_lowered;
	[smem:$0x3FD2] =	sst s25  }
0xa6: {  	s5 =	sshll.u32 s26, $0x1;
	_ =	strace $0x80000046;
	[dreg:$0x1] =	wrdreg $0xFFFFFFFF  }
0xa7: {  	s28 =	simm.s32 $_size_execute0_lowered;
	s3 =	sadd.s32 s3, s5;
	[dreg:$0x0] =	wrdreg $0x0  }
0xa8: {  	s5 =	sshll.u32 s28, $0x1;
	[dreg:$0x2] =	wrdreg s3  }
0xa9: {  	[dreg:$0x3] =	wrdreg s5  }
0xaa: {  	[dreg:$0x4] =	wrdreg $0xC0  }
0xab: {  	_ =	task [dreg:s7], $0x5FFFF  }
0xac: {  	[dreg:$0x1] =	wrdreg $0xFFFFFFFF  }
0xad: {  	[dreg:$0x0] =	wrdreg $0x60  }
0xae: {  	[dreg:$0x2] =	wrdreg s24  }
0xaf: {  	[dreg:$0x3] =	wrdreg s2  }
0xb0: {  	[dreg:$0x4] =	wrdreg $0x9  }
0xb1: {  	_ =	task.clear_ibuf [dreg:s7], $0x5FFFF;
	_ =	strace $0x90000046  }
0xb2: {  	s29 =	simm.s32 $0x9;
	_ =	strace $0x80000048  }
0xb3: {  	_ =	swait.ge [sflag:s29], $0x1  }
0xb4: {  	[sflag:s29] =	ssyncadd.s32 $0xFFFFFFFF  }
0xb5: {  	_ =	strace $0x90000048  }
0xb6: {  	_ =	sfence  }
0xb7: {  	s30 =	sld [smem:$0x0];
	_ =	sdelay $0x2  }
0xb8: {  	s31 =	sshll.u32 s1, $0xD;
	s1 =	sshrl.u32 s1, $0x2  }
0xb9: {  	s3 =	sand.u32 $0x4000, s31;
	s1 =	sadd.s32 s1, s30  }
0xba: {  	s0 =	sor.u32 s3, s0;
	s1 =	sshll.u32 s1, $0x11  }
0xbb: {  	s0 =	sor.u32 s1, s0  }
0xbc: {  	s0 =	sadd.s32 $0x8F2B, s0  }
0xbd: {  	[sflag:s0] =	ssyncadd.remote.s32 $0x1  }
0xbe: {  	_ =	sfence.sel $0xFFFF  }
0xbf: {  	[dreg:$0x0] =	wrdreg $0xFFFFFFFF;
	(pc) =	sbr.abs _section_cstart, $3  }
0xc0: {  	[dreg:$0x1] =	wrdreg $0xFFFFFFFF  }
0xc1: {  	_ =	task.clear_ibuf [dreg:s7], $0x2FFFF;
	_ =	strace $0x9FFFFFFF  }
0xc2: {  	(tm) =	ssettm $0x7FFFFFFF  }
0xc3: {  	_ =	shalt  }
tec
execute0_lowered:
.L_overlay_start_1:
0x0: {  	(tag) =	ssettag $0x1  }
0x1: {  	s3 =	rddreg [dreg:$0x0];
	s1 =	srdreg.scid  }
0x2: {  	s0 =	stileid.u32;
	s5 =	rddreg [dreg:$0x1]  }
0x3: {  	s2 =	simm.s32 $0x0;
	s9 =	simm.s32 $0x3400;
	s10 =	simm.s32 $0x68  }
0x4: {  	s11 =	simm.s32 $0x4D00;
	s12 =	simm.s32 $0x6600;
	s13 =	simm.s32 $0x0  }
0x5: {  	s4 =	sand.u32 $0x1, s1;
	s6 =	sshll.u32 s0, $0x1;
	s1 =	rddreg [dreg:$0x2]  }
0x6: {  	[smem:$0x7FF] =	sst s2;
	s6 =	sor.u32 s4, s6;
	s4 =	ssub.s32 $0x2, s4  }
0x7: {  	s7 =	smul.u32 $0x680, s6;
	s8 =	sshrl.u32 s4, $0x1;
	s6 =	sshll.u32 s6, $0xB  }
0x8: {  	_ =	strace $0x80000047;
	s8 =	ssub.s32 s4, s8;
	s5 =	sadd.s32 s5, s6  }
0x9: {  	s7 =	sadd.s32 s7, s3;
	s3 =	sadd.s32 $0xF42A00, s3;
	s6 =	smax.u32 s8, $0x1  }
0xa: {  	s8 =	simm.s32 $0x64;
	s4 =	sadd.s32 $0x600, s7;
	s7 =	simm.s32 $0x3  }
.LBB2_1:
0xb: {  	[tilespmem:s2], [sflag:$0x3] =	stream.linear.gather [hbm4b:s4+s2], $0x3400, $0x38;
	[tilespmem:$0xA600] =	vst v63  }
0xc: {  	_ =	swait.ge [sflag:s7], $0x3400  }
0xd: {  	[sflag:s7] =	ssyncset.done $0x0  }
0xe: {  	[sflag:s7] =	ssyncadd.s32 $0xFFFFCC00  }
0xf: {  	[tilespmem:s9], [sflag:$0x1] =	stream.indirect.gather [hbm4b:s3+s8], $0x40, s2, s8, $0xb8;
	[tilespmem:$0xA600] =	vst v63  }
0x10: {  	p0 =	por $0x0, $0x0;
	s14 =	simm.s32 $0x0  }
0x11: {  	[tilespmem:s11], [sflag:$0x2] =	stream.indirect.gather [hbm4b:s3+s8], $0x40, s10, s8, $0xb8;
	[tilespmem:$0xA600] =	vst v63  }
.LBB2_2:
0x12: {  	s15 =	simm.s32 $0x1  }
0x13: {  	s16 =	sand.u32 $0x1, s14;
	s15 =	simm.s32 @!p0 $0x0  }
0x14: {  	s17 =	smul.u32 $0x6400, s15;
	s15 =	sadd.s32 $0x1, s16  }
0x15: {  	_ =	swait.ge [sflag:s15], $0x1900  }
0x16: {  	s17 =	sshrl.u32 s17, $0x2;
	[sflag:s15] =	ssyncset.done $0x0  }
0x17: {  	s19 =	sadd.s32 $0x34A0, s17;
	[sflag:s15] =	ssyncadd.s32 $0xFFFFE700  }
0x18: {  	v0 =	vld [tilespmem:s19+$0x60]  }
0x19: {  	v1 =	vld [tilespmem:s19+$0x70]  }
0x1a: {  	v2 =	vld [tilespmem:s19+$0x20]  }
0x1b: {  	v3 =	vld [tilespmem:s19+$0x30]  }
0x1c: {  	v9 =	vld [tilespmem:s19+$0xFFFFFFE0]  }
0x1d: {  	v12 =	vld [tilespmem:s19+$0xFFFFFFF0]  }
0x1e: {  	v7 =	vld [tilespmem:s19+$0xFFFFFFA0]  }
0x1f: {  	v8 =	vld [tilespmem:s19+$0xFFFFFFB0]  }
0x20: {  	v5 =	vld [tilespmem:s19+$0xFFFFFF60]  }
0x21: {  	v6 =	vld [tilespmem:s19+$0xFFFFFF70]  }
0x22: {  	v10 =	vld [tilespmem:s19+$0xFFFFFF80]  }
0x23: {  	v11 =	vld [tilespmem:s19+$0xFFFFFF90]  }
0x24: {  	v13 =	vld [tilespmem:s19+$0xFFFFFFC0]  }
0x25: {  	v14 =	vld [tilespmem:s19+$0xFFFFFFD0]  }
0x26: {  	v15 =	vimm.f32 $0.0e+00;
	v4 =	vld [tilespmem:s19+$0x0]  }
0x27: {  	v16 =	vadd.f32 v5, v15;
	v17 =	vadd.f32 v6, v15;
	v6 =	vld [tilespmem:s19+$0x10]  }
0x28: {  	s16 =	smul.u32 $0x6400, s16;
	v10 =	vadd.f32 v10, v15;
	v15 =	vadd.f32 v11, v15;
	v5 =	vld [tilespmem:s19+$0x40]  }
0x29: {  	v16 =	vadd.f32 v7, v16;
	v17 =	vadd.f32 v8, v17;
	v7 =	vld [tilespmem:s19+$0x50]  }
0x2a: {  	s18 =	simm.s32 $0x0;
	s16 =	sshrl.u32 s16, $0x2;
	v11 =	vadd.f32 v13, v10;
	v10 =	vadd.f32 v14, v15;
	v8 =	vld [tilespmem:s19+$0x80]  }
0x2b: {  	s17 =	sadd.s32 $0x41B0, s17;
	s16 =	sadd.s32 $0x3400, s16;
	v13 =	vadd.f32 v9, v16;
	v12 =	vadd.f32 v12, v17;
	v9 =	vld [tilespmem:s19+$0x90];
	s19 =	sadd.s32 $0x140, s19  }
.LBB2_3:
0x2c: {  	v14 =	vld [tilespmem:s19+$0x60];
	v4 =	vadd.f32 v4, v11;
	v6 =	vadd.f32 v6, v10  }
0x2d: {  	v10 =	vld [tilespmem:s19+$0x70];
	v11 =	vadd.f32 v2, v13;
	v12 =	vadd.f32 v3, v12  }
0x2e: {  	v2 =	vld [tilespmem:s19+$0x20];
	v4 =	vadd.f32 v5, v4;
	v5 =	vadd.f32 v7, v6  }
0x2f: {  	v3 =	vld [tilespmem:s19+$0x30];
	v6 =	vadd.f32 v0, v11;
	v7 =	vadd.f32 v1, v12  }
0x30: {  	v12 =	vld [tilespmem:s19+$0xFFFFFFE0];
	v8 =	vadd.f32 v8, v4;
	v5 =	vadd.f32 v9, v5  }
0x31: {  	v9 =	vld [tilespmem:s19+$0xFFFFFFF0];
	v0 =	vmov v14  }
0x32: {  	v11 =	vld [tilespmem:s19+$0xFFFFFFA0];
	v1 =	vmov v10  }
0x33: {  	v10 =	vld [tilespmem:s19+$0xFFFFFFB0]  }
0x34: {  	v13 =	vld [tilespmem:s19+$0xFFFFFF60]  }
0x35: {  	v14 =	vld [tilespmem:s19+$0xFFFFFF70]  }
0x36: {  	v15 =	vld [tilespmem:s19+$0xFFFFFF80]  }
0x37: {  	s18 =	sadd.s32 $0x5, s18;
	v16 =	vld [tilespmem:s19+$0xFFFFFF90]  }
0x38: {  	p1 =	slt.u32 s18, $0x2D;
	v17 =	vld [tilespmem:s19+$0xFFFFFFC0]  }
0x39: {  	v18 =	vld [tilespmem:s19+$0xFFFFFFD0]  }
0x3a: {  	v4 =	vld [tilespmem:s19+$0x0]  }
.Ltmp0:
0x3b: {  	v13 =	vadd.f32 v13, v6;
	v7 =	vadd.f32 v14, v7;
	v6 =	vld [tilespmem:s19+$0x10];
	(pc) =	sbr.rel @p1 .LBB2_3-.Ltmp0, $4  }
0x3c: {  	v8 =	vadd.f32 v15, v8;
	v14 =	vadd.f32 v16, v5;
	v5 =	vld [tilespmem:s19+$0x40]  }
0x3d: {  	v13 =	vadd.f32 v11, v13;
	v15 =	vadd.f32 v10, v7;
	v7 =	vld [tilespmem:s19+$0x50]  }
0x3e: {  	v11 =	vadd.f32 v17, v8;
	v10 =	vadd.f32 v18, v14;
	v8 =	vld [tilespmem:s19+$0x80]  }
0x3f: {  	v13 =	vadd.f32 v12, v13;
	v12 =	vadd.f32 v9, v15;
	v9 =	vld [tilespmem:s19+$0x90];
	s19 =	sadd.s32 $0x140, s19  }
0x40: {  	_ = 	snop  }
0x41: {  	v4 =	vadd.f32 v4, v11;
	v2 =	vadd.f32 v2, v13  }
0x42: {  	v6 =	vadd.f32 v6, v10;
	v3 =	vadd.f32 v3, v12  }
0x43: {  	v4 =	vadd.f32 v5, v4;
	v0 =	vadd.f32 v0, v2  }
0x44: {  	v2 =	vadd.f32 v7, v6;
	v1 =	vadd.f32 v1, v3  }
0x45: {  	s18 =	sshll.u32 s14, $0x7;
	v3 =	vadd.f32 v8, v4;
	v0 =	vmul.f32 $1.999999960e-02, v0  }
0x46: {  	s18 =	sand.u32 $0x3FFFFF80, s18;
	v2 =	vadd.f32 v9, v2;
	v1 =	vmul.f32 $1.999999960e-02, v1  }
0x47: {  	[tilespmem:s18+$0x6600] =	vst v0;
	v0 =	vmul.f32 $1.999999960e-02, v3  }
0x48: {  	[tilespmem:s18+$0x6610] =	vst v1;
	v1 =	vmul.f32 $1.999999960e-02, v2  }
0x49: {  	[tilespmem:s18+$0x6620] =	vst v0  }
0x4a: {  	[tilespmem:s18+$0x6630] =	vst v1  }
0x4b: {  	v0 =	vld [tilespmem:s17+$0xFFFFFFD0]  }
0x4c: {  	v1 =	vld [tilespmem:s17+$0xFFFFFFE0]  }
0x4d: {  	v2 =	vld [tilespmem:s17+$0xFFFFFF90]  }
0x4e: {  	v3 =	vld [tilespmem:s17+$0xFFFFFFA0]  }
0x4f: {  	v9 =	vld [tilespmem:s17+$0xFFFFFF50]  }
0x50: {  	v12 =	vld [tilespmem:s17+$0xFFFFFF60]  }
0x51: {  	v7 =	vld [tilespmem:s17+$0xFFFFFF10]  }
0x52: {  	v8 =	vld [tilespmem:s17+$0xFFFFFF20]  }
0x53: {  	v5 =	vld [tilespmem:s17+$0xFFFFFED0]  }
0x54: {  	v6 =	vld [tilespmem:s17+$0xFFFFFEE0]  }
0x55: {  	v10 =	vld [tilespmem:s17+$0xFFFFFEF0]  }
0x56: {  	v11 =	vld [tilespmem:s17+$0xFFFFFF00]  }
0x57: {  	v13 =	vld [tilespmem:s17+$0xFFFFFF30]  }
0x58: {  	v14 =	vld [tilespmem:s17+$0xFFFFFF40]  }
0x59: {  	v15 =	vimm.f32 $0.0e+00;
	v4 =	vld [tilespmem:s17+$0xFFFFFF70]  }
0x5a: {  	v16 =	vadd.f32 v5, v15;
	v17 =	vadd.f32 v6, v15;
	v6 =	vld [tilespmem:s17+$0xFFFFFF80]  }
0x5b: {  	v10 =	vadd.f32 v10, v15;
	v15 =	vadd.f32 v11, v15;
	v5 =	vld [tilespmem:s17+$0xFFFFFFB0]  }
0x5c: {  	v16 =	vadd.f32 v7, v16;
	v17 =	vadd.f32 v8, v17;
	v8 =	vld [tilespmem:s17+$0xFFFFFFC0]  }
0x5d: {  	v11 =	vadd.f32 v13, v10;
	v10 =	vadd.f32 v14, v15;
	v7 =	vld [tilespmem:s17+$0xFFFFFFF0]  }
0x5e: {  	s19 =	simm.s32 $0x0;
	v13 =	vadd.f32 v9, v16;
	v12 =	vadd.f32 v12, v17;
	v9 =	vld [tilespmem:s17+$0x0];
	s17 =	sadd.s32 $0x140, s17  }
.LBB2_5:
0x5f: {  	v14 =	vld [tilespmem:s17+$0xFFFFFFD0];
	v4 =	vadd.f32 v4, v11;
	v6 =	vadd.f32 v6, v10  }
0x60: {  	v10 =	vld [tilespmem:s17+$0xFFFFFFE0];
	v11 =	vadd.f32 v2, v13;
	v12 =	vadd.f32 v3, v12  }
0x61: {  	v2 =	vld [tilespmem:s17+$0xFFFFFF90];
	v4 =	vadd.f32 v5, v4;
	v5 =	vadd.f32 v8, v6  }
0x62: {  	v3 =	vld [tilespmem:s17+$0xFFFFFFA0];
	v6 =	vadd.f32 v0, v11;
	v8 =	vadd.f32 v1, v12  }
0x63: {  	v12 =	vld [tilespmem:s17+$0xFFFFFF50];
	v7 =	vadd.f32 v7, v4;
	v5 =	vadd.f32 v9, v5  }
0x64: {  	v9 =	vld [tilespmem:s17+$0xFFFFFF60];
	v0 =	vmov v14  }
0x65: {  	v11 =	vld [tilespmem:s17+$0xFFFFFF10];
	v1 =	vmov v10  }
0x66: {  	v10 =	vld [tilespmem:s17+$0xFFFFFF20]  }
0x67: {  	v13 =	vld [tilespmem:s17+$0xFFFFFED0]  }
0x68: {  	v14 =	vld [tilespmem:s17+$0xFFFFFEE0]  }
0x69: {  	v15 =	vld [tilespmem:s17+$0xFFFFFEF0]  }
0x6a: {  	s19 =	sadd.s32 $0x5, s19;
	v16 =	vld [tilespmem:s17+$0xFFFFFF00]  }
0x6b: {  	p1 =	slt.u32 s19, $0x2D;
	v17 =	vld [tilespmem:s17+$0xFFFFFF30]  }
0x6c: {  	v18 =	vld [tilespmem:s17+$0xFFFFFF40]  }
0x6d: {  	v4 =	vld [tilespmem:s17+$0xFFFFFF70]  }
.Ltmp1:
0x6e: {  	v13 =	vadd.f32 v13, v6;
	v8 =	vadd.f32 v14, v8;
	v6 =	vld [tilespmem:s17+$0xFFFFFF80];
	(pc) =	sbr.rel @p1 .LBB2_5-.Ltmp1, $4  }
0x6f: {  	v7 =	vadd.f32 v15, v7;
	v14 =	vadd.f32 v16, v5;
	v5 =	vld [tilespmem:s17+$0xFFFFFFB0]  }
0x70: {  	v13 =	vadd.f32 v11, v13;
	v15 =	vadd.f32 v10, v8;
	v8 =	vld [tilespmem:s17+$0xFFFFFFC0]  }
0x71: {  	v11 =	vadd.f32 v17, v7;
	v10 =	vadd.f32 v18, v14;
	v7 =	vld [tilespmem:s17+$0xFFFFFFF0]  }
0x72: {  	v13 =	vadd.f32 v12, v13;
	v12 =	vadd.f32 v9, v15;
	v9 =	vld [tilespmem:s17+$0x0];
	s17 =	sadd.s32 $0x140, s17  }
0x73: {  	_ = 	snop  }
0x74: {  	v4 =	vadd.f32 v4, v11;
	v2 =	vadd.f32 v2, v13  }
0x75: {  	v6 =	vadd.f32 v6, v10;
	v3 =	vadd.f32 v3, v12  }
0x76: {  	v4 =	vadd.f32 v5, v4;
	v0 =	vadd.f32 v0, v2  }
0x77: {  	v60 =	vadd.f32 v8, v6;
	v1 =	vadd.f32 v1, v3  }
0x78: {  	v61 =	vadd.f32 v7, v4;
	v0 =	vmul.f32 $1.999999960e-02, v0  }
0x79: {  	p1 =	sgt.u32 s14, $0x7D;
	v2 =	vadd.f32 v9, v60;
	v1 =	vmul.f32 $1.999999960e-02, v1  }
0x7a: {  	s17 =	smul.u32 @!p1 $0x1A0, s14;
	v62 =	vmul.f32 $1.999999960e-02, v61;
	[tilespmem:s18+$0x6640] =	vst v0  }
0x7b: {  	v63 =	vmul.f32 $1.999999960e-02, v2;
	[tilespmem:s18+$0x6650] =	vst v1  }
0x7c: {  	s17 =	sshra.s32 @!p1 s17, $0x2;
	[tilespmem:s18+$0x6660] =	vst v62  }
0x7d: {  	s14 =	sadd.s32 $0x1, s14;
	s17 =	sadd.s32 @!p1 $0xD0, s17;
	[tilespmem:s18+$0x6670] =	vst v63;
	s18 =	simm.s32 @!p1 $0x64  }
0x7e: {  	[tilespmem:s16], [sflag:s15] =	stream.indirect.gather @!p1 [hbm4b:s3+s18], $0x40, s17, s18, $0xb8;
	[tilespmem:$0xA600] =	vst v63  }
0x7f: {  	p1 =	sne.s32 s14, $0x80  }
.Ltmp2:
0x80: {  	_ = 	snop;
	(pc) =	sbr.rel @p1 .LBB2_2-.Ltmp2, $2  }
0x81: {  	_ =	sdelay $0x2  }
0x82: {  	p0 =	por !p0, !p0  }
0x83: {  	s13 =	sadd.s32 $0x1, s13  }
0x84: {  	p0 =	sne.s32 s13, s6  }
.Ltmp3:
0x85: {  	_ = 	snop;
	(pc) =	sbr.rel @p0 .LBB2_1-.Ltmp3, $4  }
0x86: {  	[hbm4b:s5+s2] =	stream.linear.scatter [tilespmem:s12], [sflag:$0x3], $0x4000, $0x38;
	[tilespmem:$0xA600] =	vst v63  }
0x87: {  	_ =	swait.ge [sflag:s7], $0x4000  }
0x88: {  	[sflag:s7] =	ssyncset.done $0x0  }
0x89: {  	[sflag:s7] =	ssyncadd.s32 $0xFFFFC000  }
0x8a: {  	_ =	sfence.sel $0x180000  }
0x8b: {  	[bflag:$0x0] =	sbarrier.arrive $0xFFFF  }
0x8c: {  	p0 =	sne.s32 s0, $0x0;
	_ =	strace $0x90000047  }
0x8d: {  	s0 =	sadd.s32 @!p0 $0x100000, s1;
	[bflag:$0x2] =	sbarrier.arrive $0xFFFF  }
0x8e: {  	[sflag:s0] =	ssyncadd.tile.s32 @!p0 $0x1;
	_ =	shalt  }
.Lfunc_end2:
_tile_overlayer_lowered:
.L_overlay_start_2:
0x8f: {  	(tag) =	ssettag $0x2  }
0x90: {  	s0 =	rddreg [dreg:$0x0];
	s2 =	stileid.u32  }
0x91: {  	s1 =	rddreg [dreg:$0x1];
	p0 =	sne.s32 s2, $0x0  }
0x92: {  	s3 =	rddreg [dreg:$0x2];
	[bflag:$0x3] =	sbarrier.arrive $0xFFFF;
	s2 =	simm.s32 @!p0 $0x1C03  }
0x93: {  	[timem:s3], [sflag:s2] =	dma.local @!p0 [hbm:s0], s1  }
0x94: {  	s0 =	simm.s32 @!p0 $0x3  }
0x95: {  	_ =	swait.ge @!p0 [sflag:s0], s1  }
0x96: {  	s1 =	ssub.s32 @!p0 $0x0, s1;
	[sflag:s0] =	ssyncset.done @!p0 $0x0  }
0x97: {  	[sflag:s0] =	ssyncadd.s32 @!p0 s1  }
0x98: {  	[bflag:$0x3] =	sbarrier.arrive $0xFFFF  }
0x99: {  	_ =	shalt  }

</sc_bundles>
